<compile_context>
chip_gen: v7x
topology: tpu7x:2x2x1
jax: 0.10.2.dev20260603
libtpu: 0.0.44.dev20260713+nightly
codegen_flags: <defaults>
</compile_context>

<pallas_src>
import functools

import jax
import jax.numpy as jnp
from jax import lax
from jax.experimental import pallas as pl
from jax.experimental.pallas import tpu as pltpu, tpu_sc as plsc

N_NODES = 100000
MAXDEG = 64
SAMPLES1 = 25
SAMPLES2 = 10
BATCH = 4096
B1 = BATCH * SAMPLES2

_PERM0 = [17, 27, 42, 32, 1, 3, 58, 51, 40, 28]
_PERM1 = [2, 32, 15, 10, 48, 25, 28, 0, 49, 4, 60, 42, 21, 11, 20,
          57, 17, 12, 19, 22, 18, 16, 27, 5, 23]

_MESH = plsc.VectorSubcoreMesh(
    core_axis_name="c", subcore_axis_name="s", num_cores=2, num_subcores=16)
_PARAMS = pltpu.CompilerParams(
    needs_layout_passes=False, use_tc_tiling_on_sc=True)

N_SLABS = 8
SLAB = B1 // N_SLABS
SCOLS = SLAB // SAMPLES2


@functools.partial(
    pl.kernel,
    out_type=jax.ShapeDtypeStruct((SAMPLES2, BATCH), jnp.int32),
    mesh=_MESH,
    compiler_params=_PARAMS,
    scratch_types=[
        pltpu.VMEM((N_NODES,), jnp.int32),
        pltpu.VMEM((BATCH,), jnp.int32),
        pltpu.VMEM((1, BATCH), jnp.int32),
        pltpu.SemaphoreType.DMA,
    ],
)
def _hop0_kernel(adjt_h, x_h, out0_h, col_v, xs_v, val_v, sem):
  wid = lax.axis_index("s") * 2 + lax.axis_index("c")
  src_col = jnp.int32(_PERM0[-1])
  for j in range(SAMPLES2 - 1):
    src_col = jnp.where(wid == j, jnp.int32(_PERM0[j]), src_col)

  @pl.when(wid < SAMPLES2)
  def _():
    pltpu.sync_copy(adjt_h.at[pl.ds(src_col, 1), :].at[0], col_v)
    pltpu.sync_copy(x_h, xs_v)

    def step(t, carry):
      for u in range(4):
        base = t * 64 + u * 16
        iv = xs_v[pl.ds(base, 16)]
        val_v[0, pl.ds(base, 16)] = plsc.load_gather(col_v, [iv])
      return carry

    lax.fori_loop(0, BATCH // 64, step, 0)
    pltpu.async_copy(val_v, out0_h.at[pl.ds(wid, 1), :], sem).wait()


@functools.partial(
    pl.kernel,
    out_type=jax.ShapeDtypeStruct((SAMPLES1, B1), jnp.int32),
    mesh=_MESH,
    compiler_params=_PARAMS,
    scratch_types=[
        pltpu.VMEM((N_NODES,), jnp.int32),
        pltpu.VMEM((SAMPLES2, SCOLS), jnp.int32),
        pltpu.VMEM((SAMPLES2, SCOLS), jnp.int32),
        pltpu.VMEM((1, SLAB), jnp.int32),
        pltpu.VMEM((1, SLAB), jnp.int32),
        pltpu.SemaphoreType.DMA,
        pltpu.SemaphoreType.DMA,
        pltpu.SemaphoreType.DMA,
        pltpu.SemaphoreType.DMA,
        pltpu.SemaphoreType.DMA,
    ],
)
def _hop1_kernel(adjt_h, hop0t_h, out1_h, col_v, idx0_v, idx1_v,
                 stg0_v, stg1_v, csem, isem0, isem1, osem0, osem1):
  wid = lax.axis_index("s") * 2 + lax.axis_index("c")
  lane = lax.iota(jnp.int32, 16)
  idxs = [idx0_v, idx1_v]
  stgs = [stg0_v, stg1_v]
  isems = [isem0, isem1]
  osems = [osem0, osem1]
  src_col = jnp.int32(_PERM1[-1])
  for j in range(SAMPLES1 - 1):
    src_col = jnp.where(wid == j, jnp.int32(_PERM1[j]), src_col)

  @pl.when(wid < SAMPLES1)
  def _():
    ccol = pltpu.async_copy(
        adjt_h.at[pl.ds(src_col, 1), :].at[0], col_v, csem)
    in_copies = [None, None]
    out_copies = [None, None]
    in_copies[0] = pltpu.async_copy(
        hop0t_h.at[:, pl.ds(0, SCOLS)], idx0_v, isem0)
    ccol.wait()
    for s in range(N_SLABS):
      b = s % 2
      if s + 1 < N_SLABS:
        in_copies[(s + 1) % 2] = pltpu.async_copy(
            hop0t_h.at[:, pl.ds((s + 1) * SCOLS, SCOLS)], idxs[(s + 1) % 2],
            isems[(s + 1) % 2])
      in_copies[b].wait()
      if out_copies[b] is not None:
        out_copies[b].wait()
      idx_b, stg_b = idxs[b], stgs[b]

      jv0 = lane - 10 * (lane >= 10).astype(jnp.int32)
      dv0 = (lane >= 10).astype(jnp.int32)

      def step(t, carry):
        jv, dv = carry
        base = t * 16
        iv = plsc.load_gather(idx_b, [jv, dv])
        stg_b[0, pl.ds(base, 16)] = plsc.load_gather(col_v, [iv])
        jn = jv + 6
        wrap = (jn >= 10).astype(jnp.int32)
        return (jn - 10 * wrap, dv + 1 + wrap)

      lax.fori_loop(0, SLAB // 16, step, (jv0, dv0))
      out_copies[b] = pltpu.async_copy(
          stg_b, out1_h.at[pl.ds(wid, 1), pl.ds(s * SLAB, SLAB)], osems[b])
    out_copies[0].wait()
    out_copies[1].wait()


def kernel(x, adj_table):
  adj_t = adj_table.T
  out0t = _hop0_kernel(adj_t, x)
  out1t = _hop1_kernel(adj_t, out0t)
  return (out0t.T, out1t.T)

# --- scband reference (transcript-rebuilt; emitter-appended) ---
"""Pipeline reference for scband-sampler-69475390980333 (READ-ONLY COPY).

The authoritative reference and input builder live on the scoring server;
editing this copy changes nothing except your own understanding.
"""

import jax, jax.numpy as jnp
import numpy as np

N_NODES = 100000
MAXDEG = 64
SAMPLES1 = 25
SAMPLES2 = 10
BATCH = 4096


def setup_inputs(seed: int = 0) -> dict:
    key = jax.random.key(seed)
    k_adj, k_x = jax.random.split(key)
    # Learned/static parameter of the module: adjacency-list table (the `adj` lookup).
    adj_table = jax.random.randint(k_adj, (N_NODES, MAXDEG), 0, N_NODES, dtype=jnp.int32)
    x = jax.random.randint(k_x, (BATCH,), 0, N_NODES, dtype=jnp.int32)
    return {"x": x, "adj_table": adj_table}


def reference(x, adj_table):
    # Faithful translation of Sampler.forward: two-hop neighbor sampling.
    # torch.randperm is replaced by jax.random.permutation with fixed keys
    # (one independent permutation per lookup call, as in the original).
    key = jax.random.key(42)
    k0, k1 = jax.random.split(key)

    def lookup(idx, samples, k):
        adj_lists = jnp.take(adj_table, idx, axis=0)            # adj(x) -> [n, maxdeg]
        perm = jax.random.permutation(k, MAXDEG)                # torch.randperm(maxdeg)
        adj_lists = adj_lists[:, perm]                          # shuffle neighbor columns
        return jax.lax.dynamic_slice_in_dim(adj_lists, 0, samples, axis=1)  # torch.narrow

    hop0 = lookup(x, SAMPLES2, k0)                 # [BATCH, samples2]
    hop1 = lookup(hop0.reshape(-1), SAMPLES1, k1)  # [BATCH*samples2, samples1]
    return (hop0, hop1)

if __name__ == "__main__":
    import jax
    _d = setup_inputs()
    print(jax.jit(kernel)(*tuple(_d.values())))

</pallas_src>

<mosaic_0001>
#map = affine_map<(d0, d1) -> (0, 0)>
module attributes {stable_mosaic.version = 14 : i64} {
  func.func @_hop1_kernel(%arg0: i32, %arg1: i32, %arg2: memref<64x100000xi32, #tpu.memory_space<hbm>>, %arg3: memref<10x4096xi32, #tpu.memory_space<hbm>>, %arg4: memref<25x40960xi32, #tpu.memory_space<hbm>>, %arg5: memref<100000xi32, #tpu.memory_space<vmem>>, %arg6: memref<10x512xi32, #tpu.memory_space<vmem>>, %arg7: memref<10x512xi32, #tpu.memory_space<vmem>>, %arg8: memref<1x5120xi32, #tpu.memory_space<vmem>>, %arg9: memref<1x5120xi32, #tpu.memory_space<vmem>>, %arg10: memref<!tpu.dma_semaphore, #tpu.memory_space<semaphore_mem>>, %arg11: memref<!tpu.dma_semaphore, #tpu.memory_space<semaphore_mem>>, %arg12: memref<!tpu.dma_semaphore, #tpu.memory_space<semaphore_mem>>, %arg13: memref<!tpu.dma_semaphore, #tpu.memory_space<semaphore_mem>>, %arg14: memref<!tpu.dma_semaphore, #tpu.memory_space<semaphore_mem>>) attributes {dimension_semantics = [#tpu.dimension_semantics<core_parallel>, #tpu.dimension_semantics<subcore_parallel>], iteration_bounds = array<i64: 2, 16>, scalar_prefetch = 0 : i64, scratch_operands = 10 : i64, tpu.core_type = #tpu.core_type<sc_vector_subcore>, window_params = [{transform_indices = #map}, {transform_indices = #map}, {transform_indices = #map}]} {
    %mul3A = arith.constant 2 : i32
    %mul3A_0 = arith.muli %arg1, %mul3A : i32
    %add3A = arith.addi %mul3A_0, %arg0 : i32
    %iota3A = tpu.iota {dimensions = array<i32: 0>} : vector<16xi32>
    %eq3A = arith.constant 0 : i32
    %eq3A_1 = arith.cmpi eq, %add3A, %eq3A : i32
    %jit3A = arith.constant 2 : i32
    %jit3A_2 = arith.constant 23 : i32
    %select_n3A = arith.select %eq3A_1, %jit3A, %jit3A_2 : i32
    %eq3A_3 = arith.constant 1 : i32
    %eq3A_4 = arith.cmpi eq, %add3A, %eq3A_3 : i32
    %jit3A_5 = arith.constant 32 : i32
    %select_n3A_6 = arith.select %eq3A_4, %jit3A_5, %select_n3A : i32
    %eq3A_7 = arith.constant 2 : i32
    %eq3A_8 = arith.cmpi eq, %add3A, %eq3A_7 : i32
    %jit3A_9 = arith.constant 15 : i32
    %select_n3A_10 = arith.select %eq3A_8, %jit3A_9, %select_n3A_6 : i32
    %eq3A_11 = arith.constant 3 : i32
    %eq3A_12 = arith.cmpi eq, %add3A, %eq3A_11 : i32
    %jit3A_13 = arith.constant 10 : i32
    %select_n3A_14 = arith.select %eq3A_12, %jit3A_13, %select_n3A_10 : i32
    %eq3A_15 = arith.constant 4 : i32
    %eq3A_16 = arith.cmpi eq, %add3A, %eq3A_15 : i32
    %jit3A_17 = arith.constant 48 : i32
    %select_n3A_18 = arith.select %eq3A_16, %jit3A_17, %select_n3A_14 : i32
    %eq3A_19 = arith.constant 5 : i32
    %eq3A_20 = arith.cmpi eq, %add3A, %eq3A_19 : i32
    %jit3A_21 = arith.constant 25 : i32
    %select_n3A_22 = arith.select %eq3A_20, %jit3A_21, %select_n3A_18 : i32
    %eq3A_23 = arith.constant 6 : i32
    %eq3A_24 = arith.cmpi eq, %add3A, %eq3A_23 : i32
    %jit3A_25 = arith.constant 28 : i32
    %select_n3A_26 = arith.select %eq3A_24, %jit3A_25, %select_n3A_22 : i32
    %eq3A_27 = arith.constant 7 : i32
    %eq3A_28 = arith.cmpi eq, %add3A, %eq3A_27 : i32
    %jit3A_29 = arith.constant 0 : i32
    %select_n3A_30 = arith.select %eq3A_28, %jit3A_29, %select_n3A_26 : i32
    %eq3A_31 = arith.constant 8 : i32
    %eq3A_32 = arith.cmpi eq, %add3A, %eq3A_31 : i32
    %jit3A_33 = arith.constant 49 : i32
    %select_n3A_34 = arith.select %eq3A_32, %jit3A_33, %select_n3A_30 : i32
    %eq3A_35 = arith.constant 9 : i32
    %eq3A_36 = arith.cmpi eq, %add3A, %eq3A_35 : i32
    %jit3A_37 = arith.constant 4 : i32
    %select_n3A_38 = arith.select %eq3A_36, %jit3A_37, %select_n3A_34 : i32
    %eq3A_39 = arith.constant 10 : i32
    %eq3A_40 = arith.cmpi eq, %add3A, %eq3A_39 : i32
    %jit3A_41 = arith.constant 60 : i32
    %select_n3A_42 = arith.select %eq3A_40, %jit3A_41, %select_n3A_38 : i32
    %eq3A_43 = arith.constant 11 : i32
    %eq3A_44 = arith.cmpi eq, %add3A, %eq3A_43 : i32
    %jit3A_45 = arith.constant 42 : i32
    %select_n3A_46 = arith.select %eq3A_44, %jit3A_45, %select_n3A_42 : i32
    %eq3A_47 = arith.constant 12 : i32
    %eq3A_48 = arith.cmpi eq, %add3A, %eq3A_47 : i32
    %jit3A_49 = arith.constant 21 : i32
    %select_n3A_50 = arith.select %eq3A_48, %jit3A_49, %select_n3A_46 : i32
    %eq3A_51 = arith.constant 13 : i32
    %eq3A_52 = arith.cmpi eq, %add3A, %eq3A_51 : i32
    %jit3A_53 = arith.constant 11 : i32
    %select_n3A_54 = arith.select %eq3A_52, %jit3A_53, %select_n3A_50 : i32
    %eq3A_55 = arith.constant 14 : i32
    %eq3A_56 = arith.cmpi eq, %add3A, %eq3A_55 : i32
    %jit3A_57 = arith.constant 20 : i32
    %select_n3A_58 = arith.select %eq3A_56, %jit3A_57, %select_n3A_54 : i32
    %eq3A_59 = arith.constant 15 : i32
    %eq3A_60 = arith.cmpi eq, %add3A, %eq3A_59 : i32
    %jit3A_61 = arith.constant 57 : i32
    %select_n3A_62 = arith.select %eq3A_60, %jit3A_61, %select_n3A_58 : i32
    %eq3A_63 = arith.constant 16 : i32
    %eq3A_64 = arith.cmpi eq, %add3A, %eq3A_63 : i32
    %jit3A_65 = arith.constant 17 : i32
    %select_n3A_66 = arith.select %eq3A_64, %jit3A_65, %select_n3A_62 : i32
    %eq3A_67 = arith.constant 17 : i32
    %eq3A_68 = arith.cmpi eq, %add3A, %eq3A_67 : i32
    %jit3A_69 = arith.constant 12 : i32
    %select_n3A_70 = arith.select %eq3A_68, %jit3A_69, %select_n3A_66 : i32
    %eq3A_71 = arith.constant 18 : i32
    %eq3A_72 = arith.cmpi eq, %add3A, %eq3A_71 : i32
    %jit3A_73 = arith.constant 19 : i32
    %select_n3A_74 = arith.select %eq3A_72, %jit3A_73, %select_n3A_70 : i32
    %eq3A_75 = arith.constant 19 : i32
    %eq3A_76 = arith.cmpi eq, %add3A, %eq3A_75 : i32
    %jit3A_77 = arith.constant 22 : i32
    %select_n3A_78 = arith.select %eq3A_76, %jit3A_77, %select_n3A_74 : i32
    %eq3A_79 = arith.constant 20 : i32
    %eq3A_80 = arith.cmpi eq, %add3A, %eq3A_79 : i32
    %jit3A_81 = arith.constant 18 : i32
    %select_n3A_82 = arith.select %eq3A_80, %jit3A_81, %select_n3A_78 : i32
    %eq3A_83 = arith.constant 21 : i32
    %eq3A_84 = arith.cmpi eq, %add3A, %eq3A_83 : i32
    %jit3A_85 = arith.constant 16 : i32
    %select_n3A_86 = arith.select %eq3A_84, %jit3A_85, %select_n3A_82 : i32
    %eq3A_87 = arith.constant 22 : i32
    %eq3A_88 = arith.cmpi eq, %add3A, %eq3A_87 : i32
    %jit3A_89 = arith.constant 27 : i32
    %select_n3A_90 = arith.select %eq3A_88, %jit3A_89, %select_n3A_86 : i32
    %eq3A_91 = arith.constant 23 : i32
    %eq3A_92 = arith.cmpi eq, %add3A, %eq3A_91 : i32
    %jit3A_93 = arith.constant 5 : i32
    %select_n3A_94 = arith.select %eq3A_92, %jit3A_93, %select_n3A_90 : i32
    %lt3A = arith.constant 25 : i32
    %lt3A_95 = arith.cmpi slt, %add3A, %lt3A : i32
    %convert_element_type3A = arith.extui %lt3A_95 : i1 to i32
    %cond3A = arith.constant 0 : i32
    %cond3A_96 = arith.cmpi ne, %convert_element_type3A, %cond3A : i32
    scf.if %cond3A_96 {
      %dma_start3A = arith.constant 0 : i32
      %dma_start3A_97 = arith.constant 0 : i32
      %dma_start3A_98 = tpu.memref_slice %arg2[%select_n3A_94, %dma_start3A_97] : memref<64x100000xi32, #tpu.memory_space<hbm>> -> memref<1x100000xi32, #tpu.memory_space<hbm>>
      %dma_start3A_99 = arith.constant 0 : i32
      %dma_start3A_100 = tpu.memref_slice %dma_start3A_98[%dma_start3A, %dma_start3A_99] : memref<1x100000xi32, #tpu.memory_space<hbm>> -> memref<1x100000xi32, #tpu.memory_space<hbm>>
      %dma_start3A_101 = tpu.memref_squeeze %dma_start3A_100 : memref<1x100000xi32, #tpu.memory_space<hbm>> -> memref<100000xi32, #tpu.memory_space<hbm>>
      %dma_start3A_102 = arith.constant 0 : i32
      %dma_start3A_103 = tpu.memref_slice %arg2[%select_n3A_94, %dma_start3A_102] : memref<64x100000xi32, #tpu.memory_space<hbm>> -> memref<1x100000xi32, #tpu.memory_space<hbm>>
      %dma_start3A_104 = arith.constant 0 : i32
      %dma_start3A_105 = tpu.memref_slice %dma_start3A_103[%dma_start3A, %dma_start3A_104] : memref<1x100000xi32, #tpu.memory_space<hbm>> -> memref<1x100000xi32, #tpu.memory_space<hbm>>
      %dma_start3A_106 = tpu.memref_squeeze %dma_start3A_105 : memref<1x100000xi32, #tpu.memory_space<hbm>> -> memref<100000xi32, #tpu.memory_space<hbm>>
      tpu.enqueue_dma source(%dma_start3A_106 : memref<100000xi32, #tpu.memory_space<hbm>>) target(%arg5 : memref<100000xi32, #tpu.memory_space<vmem>>) target_semaphore(%arg10 : memref<!tpu.dma_semaphore, #tpu.memory_space<semaphore_mem>>)
      %dma_start3A_107 = arith.constant 0 : i32
      %dma_start3A_108 = arith.constant 0 : i32
      %dma_start3A_109 = tpu.memref_slice %arg3[%dma_start3A_107, %dma_start3A_108] : memref<10x4096xi32, #tpu.memory_space<hbm>> -> memref<10x512xi32, #tpu.memory_space<hbm>>
      %dma_start3A_110 = arith.constant 0 : i32
      %dma_start3A_111 = arith.constant 0 : i32
      %dma_start3A_112 = tpu.memref_slice %arg3[%dma_start3A_110, %dma_start3A_111] : memref<10x4096xi32, #tpu.memory_space<hbm>> -> memref<10x512xi32, #tpu.memory_space<hbm>>
      tpu.enqueue_dma source(%dma_start3A_112 : memref<10x512xi32, #tpu.memory_space<hbm>>) target(%arg6 : memref<10x512xi32, #tpu.memory_space<vmem>>) target_semaphore(%arg11 : memref<!tpu.dma_semaphore, #tpu.memory_space<semaphore_mem>>)
      %dma_wait3A = arith.constant 0 : i32
      %dma_wait3A_113 = arith.constant 0 : i32
      %dma_wait3A_114 = tpu.memref_slice %arg2[%select_n3A_94, %dma_wait3A_113] : memref<64x100000xi32, #tpu.memory_space<hbm>> -> memref<1x100000xi32, #tpu.memory_space<hbm>>
      %dma_wait3A_115 = arith.constant 0 : i32
      %dma_wait3A_116 = tpu.memref_slice %dma_wait3A_114[%dma_wait3A, %dma_wait3A_115] : memref<1x100000xi32, #tpu.memory_space<hbm>> -> memref<1x100000xi32, #tpu.memory_space<hbm>>
      %dma_wait3A_117 = tpu.memref_squeeze %dma_wait3A_116 : memref<1x100000xi32, #tpu.memory_space<hbm>> -> memref<100000xi32, #tpu.memory_space<hbm>>
      %dma_wait3A_118 = arith.constant 0 : i32
      %dma_wait3A_119 = tpu.memref_slice %arg2[%select_n3A_94, %dma_wait3A_118] : memref<64x100000xi32, #tpu.memory_space<hbm>> -> memref<1x100000xi32, #tpu.memory_space<hbm>>
      %dma_wait3A_120 = arith.constant 0 : i32
      %dma_wait3A_121 = tpu.memref_slice %dma_wait3A_119[%dma_wait3A, %dma_wait3A_120] : memref<1x100000xi32, #tpu.memory_space<hbm>> -> memref<1x100000xi32, #tpu.memory_space<hbm>>
      %dma_wait3A_122 = tpu.memref_squeeze %dma_wait3A_121 : memref<1x100000xi32, #tpu.memory_space<hbm>> -> memref<100000xi32, #tpu.memory_space<hbm>>
      tpu.wait_dma2 semaphore(%arg10 : memref<!tpu.dma_semaphore, #tpu.memory_space<semaphore_mem>>) src(%dma_wait3A_122 : memref<100000xi32, #tpu.memory_space<hbm>>) dst(%arg5 : memref<100000xi32, #tpu.memory_space<vmem>>)
      %dma_start3A_123 = arith.constant 0 : i32
      %dma_start3A_124 = arith.constant 512 : i32
      %dma_start3A_125 = tpu.memref_slice %arg3[%dma_start3A_123, %dma_start3A_124] : memref<10x4096xi32, #tpu.memory_space<hbm>> -> memref<10x512xi32, #tpu.memory_space<hbm>>
      %dma_start3A_126 = arith.constant 0 : i32
      %dma_start3A_127 = arith.constant 512 : i32
      %dma_start3A_128 = tpu.memref_slice %arg3[%dma_start3A_126, %dma_start3A_127] : memref<10x4096xi32, #tpu.memory_space<hbm>> -> memref<10x512xi32, #tpu.memory_space<hbm>>
      tpu.enqueue_dma source(%dma_start3A_128 : memref<10x512xi32, #tpu.memory_space<hbm>>) target(%arg7 : memref<10x512xi32, #tpu.memory_space<vmem>>) target_semaphore(%arg12 : memref<!tpu.dma_semaphore, #tpu.memory_space<semaphore_mem>>)
      %dma_wait3A_129 = arith.constant 0 : i32
      %dma_wait3A_130 = arith.constant 0 : i32
      %dma_wait3A_131 = tpu.memref_slice %arg3[%dma_wait3A_129, %dma_wait3A_130] : memref<10x4096xi32, #tpu.memory_space<hbm>> -> memref<10x512xi32, #tpu.memory_space<hbm>>
      %dma_wait3A_132 = arith.constant 0 : i32
      %dma_wait3A_133 = arith.constant 0 : i32
      %dma_wait3A_134 = tpu.memref_slice %arg3[%dma_wait3A_132, %dma_wait3A_133] : memref<10x4096xi32, #tpu.memory_space<hbm>> -> memref<10x512xi32, #tpu.memory_space<hbm>>
      tpu.wait_dma2 semaphore(%arg11 : memref<!tpu.dma_semaphore, #tpu.memory_space<semaphore_mem>>) src(%dma_wait3A_134 : memref<10x512xi32, #tpu.memory_space<hbm>>) dst(%arg6 : memref<10x512xi32, #tpu.memory_space<vmem>>)
      %ge3A = arith.constant 10 : i32
      %ge3A_135 = vector.broadcast %ge3A : i32 to vector<16xi32>
      %ge3A_136 = arith.cmpi sge, %iota3A, %ge3A_135 : vector<16xi32>
      %convert_element_type3A_137 = arith.extui %ge3A_136 : vector<16xi1> to vector<16xi32>
      %mul3A_138 = arith.constant 10 : i32
      %mul3A_139 = vector.broadcast %mul3A_138 : i32 to vector<16xi32>
      %mul3A_140 = arith.muli %mul3A_139, %convert_element_type3A_137 : vector<16xi32>
      %sub3A = arith.subi %iota3A, %mul3A_140 : vector<16xi32>
      %ge3A_141 = arith.constant 10 : i32
      %ge3A_142 = vector.broadcast %ge3A_141 : i32 to vector<16xi32>
      %ge3A_143 = arith.cmpi sge, %iota3A, %ge3A_142 : vector<16xi32>
      %convert_element_type3A_144 = arith.extui %ge3A_143 : vector<16xi1> to vector<16xi32>
      %scan3A = arith.constant 0 : i32
      %scan3A_145 = arith.constant 320 : i32
      %scan3A_146 = arith.addi %scan3A, %scan3A_145 : i32
      %scan3A_147 = arith.constant 1 : i32
      %scan3A_148:2 = scf.for %scan3A_418 = %scan3A to %scan3A_146 step %scan3A_147 iter_args(%scan3A_419 = %sub3A, %scan3A_420 = %convert_element_type3A_144) -> (vector<16xi32>, vector<16xi32>)  : i32 {
        %mul3A_421 = arith.constant 16 : i32
        %mul3A_422 = arith.muli %scan3A_418, %mul3A_421 : i32
        %gather3A = tpu.vector_load_idx %arg6[%scan3A_419, %scan3A_420] : memref<10x512xi32, #tpu.memory_space<vmem>>[vector<16xi32>, vector<16xi32>], vector<16xi32>,
        %gather3A_423 = tpu.vector_load_idx %arg5[%gather3A] : memref<100000xi32, #tpu.memory_space<vmem>>[vector<16xi32>], vector<16xi32>,
        %swap3A = arith.constant 0 : i32
        %swap3A_424 = arith.index_cast %swap3A : i32 to index
        %swap3A_425 = arith.index_cast %mul3A_422 : i32 to index
        %swap3A_426 = tpu.vector_load %arg8[%swap3A_424, %swap3A_425] {strides = array<i32>} : memref<1x5120xi32, #tpu.memory_space<vmem>>, vector<16xi32>,
        tpu.vector_store %arg8[%swap3A_424, %swap3A_425], %gather3A_423 {strides = array<i32>} : memref<1x5120xi32, #tpu.memory_space<vmem>>, vector<16xi32>,
        %add3A_427 = arith.constant 6 : i32
        %add3A_428 = vector.broadcast %add3A_427 : i32 to vector<16xi32>
        %add3A_429 = arith.addi %scan3A_419, %add3A_428 : vector<16xi32>
        %ge3A_430 = arith.constant 10 : i32
        %ge3A_431 = vector.broadcast %ge3A_430 : i32 to vector<16xi32>
        %ge3A_432 = arith.cmpi sge, %add3A_429, %ge3A_431 : vector<16xi32>
        %convert_element_type3A_433 = arith.extui %ge3A_432 : vector<16xi1> to vector<16xi32>
        %mul3A_434 = arith.constant 10 : i32
        %mul3A_435 = vector.broadcast %mul3A_434 : i32 to vector<16xi32>
        %mul3A_436 = arith.muli %mul3A_435, %convert_element_type3A_433 : vector<16xi32>
        %sub3A_437 = arith.subi %add3A_429, %mul3A_436 : vector<16xi32>
        %add3A_438 = arith.constant 1 : i32
        %add3A_439 = vector.broadcast %add3A_438 : i32 to vector<16xi32>
        %add3A_440 = arith.addi %scan3A_420, %add3A_439 : vector<16xi32>
        %add3A_441 = arith.addi %add3A_440, %convert_element_type3A_433 : vector<16xi32>
        scf.yield %sub3A_437, %add3A_441 : vector<16xi32>, vector<16xi32>
      }
      %scan3A_149 = arith.constant 320 : i32
      %dma_start3A_150 = arith.constant 0 : i32
      %dma_start3A_151 = tpu.memref_slice %arg4[%add3A, %dma_start3A_150] : memref<25x40960xi32, #tpu.memory_space<hbm>> -> memref<1x5120xi32, #tpu.memory_space<hbm>>
      %dma_start3A_152 = arith.constant 0 : i32
      %dma_start3A_153 = tpu.memref_slice %arg4[%add3A, %dma_start3A_152] : memref<25x40960xi32, #tpu.memory_space<hbm>> -> memref<1x5120xi32, #tpu.memory_space<hbm>>
      tpu.enqueue_dma source(%arg8 : memref<1x5120xi32, #tpu.memory_space<vmem>>) target(%dma_start3A_153 : memref<1x5120xi32, #tpu.memory_space<hbm>>) target_semaphore(%arg13 : memref<!tpu.dma_semaphore, #tpu.memory_space<semaphore_mem>>)
      %dma_start3A_154 = arith.constant 0 : i32
      %dma_start3A_155 = arith.constant 1024 : i32
      %dma_start3A_156 = tpu.memref_slice %arg3[%dma_start3A_154, %dma_start3A_155] : memref<10x4096xi32, #tpu.memory_space<hbm>> -> memref<10x512xi32, #tpu.memory_space<hbm>>
      %dma_start3A_157 = arith.constant 0 : i32
      %dma_start3A_158 = arith.constant 1024 : i32
      %dma_start3A_159 = tpu.memref_slice %arg3[%dma_start3A_157, %dma_start3A_158] : memref<10x4096xi32, #tpu.memory_space<hbm>> -> memref<10x512xi32, #tpu.memory_space<hbm>>
      tpu.enqueue_dma source(%dma_start3A_159 : memref<10x512xi32, #tpu.memory_space<hbm>>) target(%arg6 : memref<10x512xi32, #tpu.memory_space<vmem>>) target_semaphore(%arg11 : memref<!tpu.dma_semaphore, #tpu.memory_space<semaphore_mem>>)
      %dma_wait3A_160 = arith.constant 0 : i32
      %dma_wait3A_161 = arith.constant 512 : i32
      %dma_wait3A_162 = tpu.memref_slice %arg3[%dma_wait3A_160, %dma_wait3A_161] : memref<10x4096xi32, #tpu.memory_space<hbm>> -> memref<10x512xi32, #tpu.memory_space<hbm>>
      %dma_wait3A_163 = arith.constant 0 : i32
      %dma_wait3A_164 = arith.constant 512 : i32
      %dma_wait3A_165 = tpu.memref_slice %arg3[%dma_wait3A_163, %dma_wait3A_164] : memref<10x4096xi32, #tpu.memory_space<hbm>> -> memref<10x512xi32, #tpu.memory_space<hbm>>
      tpu.wait_dma2 semaphore(%arg12 : memref<!tpu.dma_semaphore, #tpu.memory_space<semaphore_mem>>) src(%dma_wait3A_165 : memref<10x512xi32, #tpu.memory_space<hbm>>) dst(%arg7 : memref<10x512xi32, #tpu.memory_space<vmem>>)
      %ge3A_166 = arith.constant 10 : i32
      %ge3A_167 = vector.broadcast %ge3A_166 : i32 to vector<16xi32>
      %ge3A_168 = arith.cmpi sge, %iota3A, %ge3A_167 : vector<16xi32>
      %convert_element_type3A_169 = arith.extui %ge3A_168 : vector<16xi1> to vector<16xi32>
      %mul3A_170 = arith.constant 10 : i32
      %mul3A_171 = vector.broadcast %mul3A_170 : i32 to vector<16xi32>
      %mul3A_172 = arith.muli %mul3A_171, %convert_element_type3A_169 : vector<16xi32>
      %sub3A_173 = arith.subi %iota3A, %mul3A_172 : vector<16xi32>
      %ge3A_174 = arith.constant 10 : i32
      %ge3A_175 = vector.broadcast %ge3A_174 : i32 to vector<16xi32>
      %ge3A_176 = arith.cmpi sge, %iota3A, %ge3A_175 : vector<16xi32>
      %convert_element_type3A_177 = arith.extui %ge3A_176 : vector<16xi1> to vector<16xi32>
      %scan3A_178 = arith.constant 0 : i32
      %scan3A_179 = arith.constant 320 : i32
      %scan3A_180 = arith.addi %scan3A_178, %scan3A_179 : i32
      %scan3A_181 = arith.constant 1 : i32
      %scan3A_182:2 = scf.for %scan3A_418 = %scan3A_178 to %scan3A_180 step %scan3A_181 iter_args(%scan3A_419 = %sub3A_173, %scan3A_420 = %convert_element_type3A_177) -> (vector<16xi32>, vector<16xi32>)  : i32 {
        %mul3A_421 = arith.constant 16 : i32
        %mul3A_422 = arith.muli %scan3A_418, %mul3A_421 : i32
        %gather3A = tpu.vector_load_idx %arg7[%scan3A_419, %scan3A_420] : memref<10x512xi32, #tpu.memory_space<vmem>>[vector<16xi32>, vector<16xi32>], vector<16xi32>,
        %gather3A_423 = tpu.vector_load_idx %arg5[%gather3A] : memref<100000xi32, #tpu.memory_space<vmem>>[vector<16xi32>], vector<16xi32>,
        %swap3A = arith.constant 0 : i32
        %swap3A_424 = arith.index_cast %swap3A : i32 to index
        %swap3A_425 = arith.index_cast %mul3A_422 : i32 to index
        %swap3A_426 = tpu.vector_load %arg9[%swap3A_424, %swap3A_425] {strides = array<i32>} : memref<1x5120xi32, #tpu.memory_space<vmem>>, vector<16xi32>,
        tpu.vector_store %arg9[%swap3A_424, %swap3A_425], %gather3A_423 {strides = array<i32>} : memref<1x5120xi32, #tpu.memory_space<vmem>>, vector<16xi32>,
        %add3A_427 = arith.constant 6 : i32
        %add3A_428 = vector.broadcast %add3A_427 : i32 to vector<16xi32>
        %add3A_429 = arith.addi %scan3A_419, %add3A_428 : vector<16xi32>
        %ge3A_430 = arith.constant 10 : i32
        %ge3A_431 = vector.broadcast %ge3A_430 : i32 to vector<16xi32>
        %ge3A_432 = arith.cmpi sge, %add3A_429, %ge3A_431 : vector<16xi32>
        %convert_element_type3A_433 = arith.extui %ge3A_432 : vector<16xi1> to vector<16xi32>
        %mul3A_434 = arith.constant 10 : i32
        %mul3A_435 = vector.broadcast %mul3A_434 : i32 to vector<16xi32>
        %mul3A_436 = arith.muli %mul3A_435, %convert_element_type3A_433 : vector<16xi32>
        %sub3A_437 = arith.subi %add3A_429, %mul3A_436 : vector<16xi32>
        %add3A_438 = arith.constant 1 : i32
        %add3A_439 = vector.broadcast %add3A_438 : i32 to vector<16xi32>
        %add3A_440 = arith.addi %scan3A_420, %add3A_439 : vector<16xi32>
        %add3A_441 = arith.addi %add3A_440, %convert_element_type3A_433 : vector<16xi32>
        scf.yield %sub3A_437, %add3A_441 : vector<16xi32>, vector<16xi32>
      }
      %scan3A_183 = arith.constant 320 : i32
      %dma_start3A_184 = arith.constant 5120 : i32
      %dma_start3A_185 = tpu.memref_slice %arg4[%add3A, %dma_start3A_184] : memref<25x40960xi32, #tpu.memory_space<hbm>> -> memref<1x5120xi32, #tpu.memory_space<hbm>>
      %dma_start3A_186 = arith.constant 5120 : i32
      %dma_start3A_187 = tpu.memref_slice %arg4[%add3A, %dma_start3A_186] : memref<25x40960xi32, #tpu.memory_space<hbm>> -> memref<1x5120xi32, #tpu.memory_space<hbm>>
      tpu.enqueue_dma source(%arg9 : memref<1x5120xi32, #tpu.memory_space<vmem>>) target(%dma_start3A_187 : memref<1x5120xi32, #tpu.memory_space<hbm>>) target_semaphore(%arg14 : memref<!tpu.dma_semaphore, #tpu.memory_space<semaphore_mem>>)
      %dma_start3A_188 = arith.constant 0 : i32
      %dma_start3A_189 = arith.constant 1536 : i32
      %dma_start3A_190 = tpu.memref_slice %arg3[%dma_start3A_188, %dma_start3A_189] : memref<10x4096xi32, #tpu.memory_space<hbm>> -> memref<10x512xi32, #tpu.memory_space<hbm>>
      %dma_start3A_191 = arith.constant 0 : i32
      %dma_start3A_192 = arith.constant 1536 : i32
      %dma_start3A_193 = tpu.memref_slice %arg3[%dma_start3A_191, %dma_start3A_192] : memref<10x4096xi32, #tpu.memory_space<hbm>> -> memref<10x512xi32, #tpu.memory_space<hbm>>
      tpu.enqueue_dma source(%dma_start3A_193 : memref<10x512xi32, #tpu.memory_space<hbm>>) target(%arg7 : memref<10x512xi32, #tpu.memory_space<vmem>>) target_semaphore(%arg12 : memref<!tpu.dma_semaphore, #tpu.memory_space<semaphore_mem>>)
      %dma_wait3A_194 = arith.constant 0 : i32
      %dma_wait3A_195 = arith.constant 1024 : i32
      %dma_wait3A_196 = tpu.memref_slice %arg3[%dma_wait3A_194, %dma_wait3A_195] : memref<10x4096xi32, #tpu.memory_space<hbm>> -> memref<10x512xi32, #tpu.memory_space<hbm>>
      %dma_wait3A_197 = arith.constant 0 : i32
      %dma_wait3A_198 = arith.constant 1024 : i32
      %dma_wait3A_199 = tpu.memref_slice %arg3[%dma_wait3A_197, %dma_wait3A_198] : memref<10x4096xi32, #tpu.memory_space<hbm>> -> memref<10x512xi32, #tpu.memory_space<hbm>>
      tpu.wait_dma2 semaphore(%arg11 : memref<!tpu.dma_semaphore, #tpu.memory_space<semaphore_mem>>) src(%dma_wait3A_199 : memref<10x512xi32, #tpu.memory_space<hbm>>) dst(%arg6 : memref<10x512xi32, #tpu.memory_space<vmem>>)
      %dma_wait3A_200 = arith.constant 0 : i32
      %dma_wait3A_201 = tpu.memref_slice %arg4[%add3A, %dma_wait3A_200] : memref<25x40960xi32, #tpu.memory_space<hbm>> -> memref<1x5120xi32, #tpu.memory_space<hbm>>
      %dma_wait3A_202 = arith.constant 0 : i32
      %dma_wait3A_203 = tpu.memref_slice %arg4[%add3A, %dma_wait3A_202] : memref<25x40960xi32, #tpu.memory_space<hbm>> -> memref<1x5120xi32, #tpu.memory_space<hbm>>
      tpu.wait_dma2 semaphore(%arg13 : memref<!tpu.dma_semaphore, #tpu.memory_space<semaphore_mem>>) src(%arg8 : memref<1x5120xi32, #tpu.memory_space<vmem>>) dst(%dma_wait3A_203 : memref<1x5120xi32, #tpu.memory_space<hbm>>)
      %ge3A_204 = arith.constant 10 : i32
      %ge3A_205 = vector.broadcast %ge3A_204 : i32 to vector<16xi32>
      %ge3A_206 = arith.cmpi sge, %iota3A, %ge3A_205 : vector<16xi32>
      %convert_element_type3A_207 = arith.extui %ge3A_206 : vector<16xi1> to vector<16xi32>
      %mul3A_208 = arith.constant 10 : i32
      %mul3A_209 = vector.broadcast %mul3A_208 : i32 to vector<16xi32>
      %mul3A_210 = arith.muli %mul3A_209, %convert_element_type3A_207 : vector<16xi32>
      %sub3A_211 = arith.subi %iota3A, %mul3A_210 : vector<16xi32>
      %ge3A_212 = arith.constant 10 : i32
      %ge3A_213 = vector.broadcast %ge3A_212 : i32 to vector<16xi32>
      %ge3A_214 = arith.cmpi sge, %iota3A, %ge3A_213 : vector<16xi32>
      %convert_element_type3A_215 = arith.extui %ge3A_214 : vector<16xi1> to vector<16xi32>
      %scan3A_216 = arith.constant 0 : i32
      %scan3A_217 = arith.constant 320 : i32
      %scan3A_218 = arith.addi %scan3A_216, %scan3A_217 : i32
      %scan3A_219 = arith.constant 1 : i32
      %scan3A_220:2 = scf.for %scan3A_418 = %scan3A_216 to %scan3A_218 step %scan3A_219 iter_args(%scan3A_419 = %sub3A_211, %scan3A_420 = %convert_element_type3A_215) -> (vector<16xi32>, vector<16xi32>)  : i32 {
        %mul3A_421 = arith.constant 16 : i32
        %mul3A_422 = arith.muli %scan3A_418, %mul3A_421 : i32
        %gather3A = tpu.vector_load_idx %arg6[%scan3A_419, %scan3A_420] : memref<10x512xi32, #tpu.memory_space<vmem>>[vector<16xi32>, vector<16xi32>], vector<16xi32>,
        %gather3A_423 = tpu.vector_load_idx %arg5[%gather3A] : memref<100000xi32, #tpu.memory_space<vmem>>[vector<16xi32>], vector<16xi32>,
        %swap3A = arith.constant 0 : i32
        %swap3A_424 = arith.index_cast %swap3A : i32 to index
        %swap3A_425 = arith.index_cast %mul3A_422 : i32 to index
        %swap3A_426 = tpu.vector_load %arg8[%swap3A_424, %swap3A_425] {strides = array<i32>} : memref<1x5120xi32, #tpu.memory_space<vmem>>, vector<16xi32>,
        tpu.vector_store %arg8[%swap3A_424, %swap3A_425], %gather3A_423 {strides = array<i32>} : memref<1x5120xi32, #tpu.memory_space<vmem>>, vector<16xi32>,
        %add3A_427 = arith.constant 6 : i32
        %add3A_428 = vector.broadcast %add3A_427 : i32 to vector<16xi32>
        %add3A_429 = arith.addi %scan3A_419, %add3A_428 : vector<16xi32>
        %ge3A_430 = arith.constant 10 : i32
        %ge3A_431 = vector.broadcast %ge3A_430 : i32 to vector<16xi32>
        %ge3A_432 = arith.cmpi sge, %add3A_429, %ge3A_431 : vector<16xi32>
        %convert_element_type3A_433 = arith.extui %ge3A_432 : vector<16xi1> to vector<16xi32>
        %mul3A_434 = arith.constant 10 : i32
        %mul3A_435 = vector.broadcast %mul3A_434 : i32 to vector<16xi32>
        %mul3A_436 = arith.muli %mul3A_435, %convert_element_type3A_433 : vector<16xi32>
        %sub3A_437 = arith.subi %add3A_429, %mul3A_436 : vector<16xi32>
        %add3A_438 = arith.constant 1 : i32
        %add3A_439 = vector.broadcast %add3A_438 : i32 to vector<16xi32>
        %add3A_440 = arith.addi %scan3A_420, %add3A_439 : vector<16xi32>
        %add3A_441 = arith.addi %add3A_440, %convert_element_type3A_433 : vector<16xi32>
        scf.yield %sub3A_437, %add3A_441 : vector<16xi32>, vector<16xi32>
      }
      %scan3A_221 = arith.constant 320 : i32
      %dma_start3A_222 = arith.constant 10240 : i32
      %dma_start3A_223 = tpu.memref_slice %arg4[%add3A, %dma_start3A_222] : memref<25x40960xi32, #tpu.memory_space<hbm>> -> memref<1x5120xi32, #tpu.memory_space<hbm>>
      %dma_start3A_224 = arith.constant 10240 : i32
      %dma_start3A_225 = tpu.memref_slice %arg4[%add3A, %dma_start3A_224] : memref<25x40960xi32, #tpu.memory_space<hbm>> -> memref<1x5120xi32, #tpu.memory_space<hbm>>
      tpu.enqueue_dma source(%arg8 : memref<1x5120xi32, #tpu.memory_space<vmem>>) target(%dma_start3A_225 : memref<1x5120xi32, #tpu.memory_space<hbm>>) target_semaphore(%arg13 : memref<!tpu.dma_semaphore, #tpu.memory_space<semaphore_mem>>)
      %dma_start3A_226 = arith.constant 0 : i32
      %dma_start3A_227 = arith.constant 2048 : i32
      %dma_start3A_228 = tpu.memref_slice %arg3[%dma_start3A_226, %dma_start3A_227] : memref<10x4096xi32, #tpu.memory_space<hbm>> -> memref<10x512xi32, #tpu.memory_space<hbm>>
      %dma_start3A_229 = arith.constant 0 : i32
      %dma_start3A_230 = arith.constant 2048 : i32
      %dma_start3A_231 = tpu.memref_slice %arg3[%dma_start3A_229, %dma_start3A_230] : memref<10x4096xi32, #tpu.memory_space<hbm>> -> memref<10x512xi32, #tpu.memory_space<hbm>>
      tpu.enqueue_dma source(%dma_start3A_231 : memref<10x512xi32, #tpu.memory_space<hbm>>) target(%arg6 : memref<10x512xi32, #tpu.memory_space<vmem>>) target_semaphore(%arg11 : memref<!tpu.dma_semaphore, #tpu.memory_space<semaphore_mem>>)
      %dma_wait3A_232 = arith.constant 0 : i32
      %dma_wait3A_233 = arith.constant 1536 : i32
      %dma_wait3A_234 = tpu.memref_slice %arg3[%dma_wait3A_232, %dma_wait3A_233] : memref<10x4096xi32, #tpu.memory_space<hbm>> -> memref<10x512xi32, #tpu.memory_space<hbm>>
      %dma_wait3A_235 = arith.constant 0 : i32
      %dma_wait3A_236 = arith.constant 1536 : i32
      %dma_wait3A_237 = tpu.memref_slice %arg3[%dma_wait3A_235, %dma_wait3A_236] : memref<10x4096xi32, #tpu.memory_space<hbm>> -> memref<10x512xi32, #tpu.memory_space<hbm>>
      tpu.wait_dma2 semaphore(%arg12 : memref<!tpu.dma_semaphore, #tpu.memory_space<semaphore_mem>>) src(%dma_wait3A_237 : memref<10x512xi32, #tpu.memory_space<hbm>>) dst(%arg7 : memref<10x512xi32, #tpu.memory_space<vmem>>)
      %dma_wait3A_238 = arith.constant 5120 : i32
      %dma_wait3A_239 = tpu.memref_slice %arg4[%add3A, %dma_wait3A_238] : memref<25x40960xi32, #tpu.memory_space<hbm>> -> memref<1x5120xi32, #tpu.memory_space<hbm>>
      %dma_wait3A_240 = arith.constant 5120 : i32
      %dma_wait3A_241 = tpu.memref_slice %arg4[%add3A, %dma_wait3A_240] : memref<25x40960xi32, #tpu.memory_space<hbm>> -> memref<1x5120xi32, #tpu.memory_space<hbm>>
      tpu.wait_dma2 semaphore(%arg14 : memref<!tpu.dma_semaphore, #tpu.memory_space<semaphore_mem>>) src(%arg9 : memref<1x5120xi32, #tpu.memory_space<vmem>>) dst(%dma_wait3A_241 : memref<1x5120xi32, #tpu.memory_space<hbm>>)
      %ge3A_242 = arith.constant 10 : i32
      %ge3A_243 = vector.broadcast %ge3A_242 : i32 to vector<16xi32>
      %ge3A_244 = arith.cmpi sge, %iota3A, %ge3A_243 : vector<16xi32>
      %convert_element_type3A_245 = arith.extui %ge3A_244 : vector<16xi1> to vector<16xi32>
      %mul3A_246 = arith.constant 10 : i32
      %mul3A_247 = vector.broadcast %mul3A_246 : i32 to vector<16xi32>
      %mul3A_248 = arith.muli %mul3A_247, %convert_element_type3A_245 : vector<16xi32>
      %sub3A_249 = arith.subi %iota3A, %mul3A_248 : vector<16xi32>
      %ge3A_250 = arith.constant 10 : i32
      %ge3A_251 = vector.broadcast %ge3A_250 : i32 to vector<16xi32>
      %ge3A_252 = arith.cmpi sge, %iota3A, %ge3A_251 : vector<16xi32>
      %convert_element_type3A_253 = arith.extui %ge3A_252 : vector<16xi1> to vector<16xi32>
      %scan3A_254 = arith.constant 0 : i32
      %scan3A_255 = arith.constant 320 : i32
      %scan3A_256 = arith.addi %scan3A_254, %scan3A_255 : i32
      %scan3A_257 = arith.constant 1 : i32
      %scan3A_258:2 = scf.for %scan3A_418 = %scan3A_254 to %scan3A_256 step %scan3A_257 iter_args(%scan3A_419 = %sub3A_249, %scan3A_420 = %convert_element_type3A_253) -> (vector<16xi32>, vector<16xi32>)  : i32 {
        %mul3A_421 = arith.constant 16 : i32
        %mul3A_422 = arith.muli %scan3A_418, %mul3A_421 : i32
        %gather3A = tpu.vector_load_idx %arg7[%scan3A_419, %scan3A_420] : memref<10x512xi32, #tpu.memory_space<vmem>>[vector<16xi32>, vector<16xi32>], vector<16xi32>,
        %gather3A_423 = tpu.vector_load_idx %arg5[%gather3A] : memref<100000xi32, #tpu.memory_space<vmem>>[vector<16xi32>], vector<16xi32>,
        %swap3A = arith.constant 0 : i32
        %swap3A_424 = arith.index_cast %swap3A : i32 to index
        %swap3A_425 = arith.index_cast %mul3A_422 : i32 to index
        %swap3A_426 = tpu.vector_load %arg9[%swap3A_424, %swap3A_425] {strides = array<i32>} : memref<1x5120xi32, #tpu.memory_space<vmem>>, vector<16xi32>,
        tpu.vector_store %arg9[%swap3A_424, %swap3A_425], %gather3A_423 {strides = array<i32>} : memref<1x5120xi32, #tpu.memory_space<vmem>>, vector<16xi32>,
        %add3A_427 = arith.constant 6 : i32
        %add3A_428 = vector.broadcast %add3A_427 : i32 to vector<16xi32>
        %add3A_429 = arith.addi %scan3A_419, %add3A_428 : vector<16xi32>
        %ge3A_430 = arith.constant 10 : i32
        %ge3A_431 = vector.broadcast %ge3A_430 : i32 to vector<16xi32>
        %ge3A_432 = arith.cmpi sge, %add3A_429, %ge3A_431 : vector<16xi32>
        %convert_element_type3A_433 = arith.extui %ge3A_432 : vector<16xi1> to vector<16xi32>
        %mul3A_434 = arith.constant 10 : i32
        %mul3A_435 = vector.broadcast %mul3A_434 : i32 to vector<16xi32>
        %mul3A_436 = arith.muli %mul3A_435, %convert_element_type3A_433 : vector<16xi32>
        %sub3A_437 = arith.subi %add3A_429, %mul3A_436 : vector<16xi32>
        %add3A_438 = arith.constant 1 : i32
        %add3A_439 = vector.broadcast %add3A_438 : i32 to vector<16xi32>
        %add3A_440 = arith.addi %scan3A_420, %add3A_439 : vector<16xi32>
        %add3A_441 = arith.addi %add3A_440, %convert_element_type3A_433 : vector<16xi32>
        scf.yield %sub3A_437, %add3A_441 : vector<16xi32>, vector<16xi32>
      }
      %scan3A_259 = arith.constant 320 : i32
      %dma_start3A_260 = arith.constant 15360 : i32
      %dma_start3A_261 = tpu.memref_slice %arg4[%add3A, %dma_start3A_260] : memref<25x40960xi32, #tpu.memory_space<hbm>> -> memref<1x5120xi32, #tpu.memory_space<hbm>>
      %dma_start3A_262 = arith.constant 15360 : i32
      %dma_start3A_263 = tpu.memref_slice %arg4[%add3A, %dma_start3A_262] : memref<25x40960xi32, #tpu.memory_space<hbm>> -> memref<1x5120xi32, #tpu.memory_space<hbm>>
      tpu.enqueue_dma source(%arg9 : memref<1x5120xi32, #tpu.memory_space<vmem>>) target(%dma_start3A_263 : memref<1x5120xi32, #tpu.memory_space<hbm>>) target_semaphore(%arg14 : memref<!tpu.dma_semaphore, #tpu.memory_space<semaphore_mem>>)
      %dma_start3A_264 = arith.constant 0 : i32
      %dma_start3A_265 = arith.constant 2560 : i32
      %dma_start3A_266 = tpu.memref_slice %arg3[%dma_start3A_264, %dma_start3A_265] : memref<10x4096xi32, #tpu.memory_space<hbm>> -> memref<10x512xi32, #tpu.memory_space<hbm>>
      %dma_start3A_267 = arith.constant 0 : i32
      %dma_start3A_268 = arith.constant 2560 : i32
      %dma_start3A_269 = tpu.memref_slice %arg3[%dma_start3A_267, %dma_start3A_268] : memref<10x4096xi32, #tpu.memory_space<hbm>> -> memref<10x512xi32, #tpu.memory_space<hbm>>
      tpu.enqueue_dma source(%dma_start3A_269 : memref<10x512xi32, #tpu.memory_space<hbm>>) target(%arg7 : memref<10x512xi32, #tpu.memory_space<vmem>>) target_semaphore(%arg12 : memref<!tpu.dma_semaphore, #tpu.memory_space<semaphore_mem>>)
      %dma_wait3A_270 = arith.constant 0 : i32
      %dma_wait3A_271 = arith.constant 2048 : i32
      %dma_wait3A_272 = tpu.memref_slice %arg3[%dma_wait3A_270, %dma_wait3A_271] : memref<10x4096xi32, #tpu.memory_space<hbm>> -> memref<10x512xi32, #tpu.memory_space<hbm>>
      %dma_wait3A_273 = arith.constant 0 : i32
      %dma_wait3A_274 = arith.constant 2048 : i32
      %dma_wait3A_275 = tpu.memref_slice %arg3[%dma_wait3A_273, %dma_wait3A_274] : memref<10x4096xi32, #tpu.memory_space<hbm>> -> memref<10x512xi32, #tpu.memory_space<hbm>>
      tpu.wait_dma2 semaphore(%arg11 : memref<!tpu.dma_semaphore, #tpu.memory_space<semaphore_mem>>) src(%dma_wait3A_275 : memref<10x512xi32, #tpu.memory_space<hbm>>) dst(%arg6 : memref<10x512xi32, #tpu.memory_space<vmem>>)
      %dma_wait3A_276 = arith.constant 10240 : i32
      %dma_wait3A_277 = tpu.memref_slice %arg4[%add3A, %dma_wait3A_276] : memref<25x40960xi32, #tpu.memory_space<hbm>> -> memref<1x5120xi32, #tpu.memory_space<hbm>>
      %dma_wait3A_278 = arith.constant 10240 : i32
      %dma_wait3A_279 = tpu.memref_slice %arg4[%add3A, %dma_wait3A_278] : memref<25x40960xi32, #tpu.memory_space<hbm>> -> memref<1x5120xi32, #tpu.memory_space<hbm>>
      tpu.wait_dma2 semaphore(%arg13 : memref<!tpu.dma_semaphore, #tpu.memory_space<semaphore_mem>>) src(%arg8 : memref<1x5120xi32, #tpu.memory_space<vmem>>) dst(%dma_wait3A_279 : memref<1x5120xi32, #tpu.memory_space<hbm>>)
      %ge3A_280 = arith.constant 10 : i32
      %ge3A_281 = vector.broadcast %ge3A_280 : i32 to vector<16xi32>
      %ge3A_282 = arith.cmpi sge, %iota3A, %ge3A_281 : vector<16xi32>
      %convert_element_type3A_283 = arith.extui %ge3A_282 : vector<16xi1> to vector<16xi32>
      %mul3A_284 = arith.constant 10 : i32
      %mul3A_285 = vector.broadcast %mul3A_284 : i32 to vector<16xi32>
      %mul3A_286 = arith.muli %mul3A_285, %convert_element_type3A_283 : vector<16xi32>
      %sub3A_287 = arith.subi %iota3A, %mul3A_286 : vector<16xi32>
      %ge3A_288 = arith.constant 10 : i32
      %ge3A_289 = vector.broadcast %ge3A_288 : i32 to vector<16xi32>
      %ge3A_290 = arith.cmpi sge, %iota3A, %ge3A_289 : vector<16xi32>
      %convert_element_type3A_291 = arith.extui %ge3A_290 : vector<16xi1> to vector<16xi32>
      %scan3A_292 = arith.constant 0 : i32
      %scan3A_293 = arith.constant 320 : i32
      %scan3A_294 = arith.addi %scan3A_292, %scan3A_293 : i32
      %scan3A_295 = arith.constant 1 : i32
      %scan3A_296:2 = scf.for %scan3A_418 = %scan3A_292 to %scan3A_294 step %scan3A_295 iter_args(%scan3A_419 = %sub3A_287, %scan3A_420 = %convert_element_type3A_291) -> (vector<16xi32>, vector<16xi32>)  : i32 {
        %mul3A_421 = arith.constant 16 : i32
        %mul3A_422 = arith.muli %scan3A_418, %mul3A_421 : i32
        %gather3A = tpu.vector_load_idx %arg6[%scan3A_419, %scan3A_420] : memref<10x512xi32, #tpu.memory_space<vmem>>[vector<16xi32>, vector<16xi32>], vector<16xi32>,
        %gather3A_423 = tpu.vector_load_idx %arg5[%gather3A] : memref<100000xi32, #tpu.memory_space<vmem>>[vector<16xi32>], vector<16xi32>,
        %swap3A = arith.constant 0 : i32
        %swap3A_424 = arith.index_cast %swap3A : i32 to index
        %swap3A_425 = arith.index_cast %mul3A_422 : i32 to index
        %swap3A_426 = tpu.vector_load %arg8[%swap3A_424, %swap3A_425] {strides = array<i32>} : memref<1x5120xi32, #tpu.memory_space<vmem>>, vector<16xi32>,
        tpu.vector_store %arg8[%swap3A_424, %swap3A_425], %gather3A_423 {strides = array<i32>} : memref<1x5120xi32, #tpu.memory_space<vmem>>, vector<16xi32>,
        %add3A_427 = arith.constant 6 : i32
        %add3A_428 = vector.broadcast %add3A_427 : i32 to vector<16xi32>
        %add3A_429 = arith.addi %scan3A_419, %add3A_428 : vector<16xi32>
        %ge3A_430 = arith.constant 10 : i32
        %ge3A_431 = vector.broadcast %ge3A_430 : i32 to vector<16xi32>
        %ge3A_432 = arith.cmpi sge, %add3A_429, %ge3A_431 : vector<16xi32>
        %convert_element_type3A_433 = arith.extui %ge3A_432 : vector<16xi1> to vector<16xi32>
        %mul3A_434 = arith.constant 10 : i32
        %mul3A_435 = vector.broadcast %mul3A_434 : i32 to vector<16xi32>
        %mul3A_436 = arith.muli %mul3A_435, %convert_element_type3A_433 : vector<16xi32>
        %sub3A_437 = arith.subi %add3A_429, %mul3A_436 : vector<16xi32>
        %add3A_438 = arith.constant 1 : i32
        %add3A_439 = vector.broadcast %add3A_438 : i32 to vector<16xi32>
        %add3A_440 = arith.addi %scan3A_420, %add3A_439 : vector<16xi32>
        %add3A_441 = arith.addi %add3A_440, %convert_element_type3A_433 : vector<16xi32>
        scf.yield %sub3A_437, %add3A_441 : vector<16xi32>, vector<16xi32>
      }
      %scan3A_297 = arith.constant 320 : i32
      %dma_start3A_298 = arith.constant 20480 : i32
      %dma_start3A_299 = tpu.memref_slice %arg4[%add3A, %dma_start3A_298] : memref<25x40960xi32, #tpu.memory_space<hbm>> -> memref<1x5120xi32, #tpu.memory_space<hbm>>
      %dma_start3A_300 = arith.constant 20480 : i32
      %dma_start3A_301 = tpu.memref_slice %arg4[%add3A, %dma_start3A_300] : memref<25x40960xi32, #tpu.memory_space<hbm>> -> memref<1x5120xi32, #tpu.memory_space<hbm>>
      tpu.enqueue_dma source(%arg8 : memref<1x5120xi32, #tpu.memory_space<vmem>>) target(%dma_start3A_301 : memref<1x5120xi32, #tpu.memory_space<hbm>>) target_semaphore(%arg13 : memref<!tpu.dma_semaphore, #tpu.memory_space<semaphore_mem>>)
      %dma_start3A_302 = arith.constant 0 : i32
      %dma_start3A_303 = arith.constant 3072 : i32
      %dma_start3A_304 = tpu.memref_slice %arg3[%dma_start3A_302, %dma_start3A_303] : memref<10x4096xi32, #tpu.memory_space<hbm>> -> memref<10x512xi32, #tpu.memory_space<hbm>>
      %dma_start3A_305 = arith.constant 0 : i32
      %dma_start3A_306 = arith.constant 3072 : i32
      %dma_start3A_307 = tpu.memref_slice %arg3[%dma_start3A_305, %dma_start3A_306] : memref<10x4096xi32, #tpu.memory_space<hbm>> -> memref<10x512xi32, #tpu.memory_space<hbm>>
      tpu.enqueue_dma source(%dma_start3A_307 : memref<10x512xi32, #tpu.memory_space<hbm>>) target(%arg6 : memref<10x512xi32, #tpu.memory_space<vmem>>) target_semaphore(%arg11 : memref<!tpu.dma_semaphore, #tpu.memory_space<semaphore_mem>>)
      %dma_wait3A_308 = arith.constant 0 : i32
      %dma_wait3A_309 = arith.constant 2560 : i32
      %dma_wait3A_310 = tpu.memref_slice %arg3[%dma_wait3A_308, %dma_wait3A_309] : memref<10x4096xi32, #tpu.memory_space<hbm>> -> memref<10x512xi32, #tpu.memory_space<hbm>>
      %dma_wait3A_311 = arith.constant 0 : i32
      %dma_wait3A_312 = arith.constant 2560 : i32
      %dma_wait3A_313 = tpu.memref_slice %arg3[%dma_wait3A_311, %dma_wait3A_312] : memref<10x4096xi32, #tpu.memory_space<hbm>> -> memref<10x512xi32, #tpu.memory_space<hbm>>
      tpu.wait_dma2 semaphore(%arg12 : memref<!tpu.dma_semaphore, #tpu.memory_space<semaphore_mem>>) src(%dma_wait3A_313 : memref<10x512xi32, #tpu.memory_space<hbm>>) dst(%arg7 : memref<10x512xi32, #tpu.memory_space<vmem>>)
      %dma_wait3A_314 = arith.constant 15360 : i32
      %dma_wait3A_315 = tpu.memref_slice %arg4[%add3A, %dma_wait3A_314] : memref<25x40960xi32, #tpu.memory_space<hbm>> -> memref<1x5120xi32, #tpu.memory_space<hbm>>
      %dma_wait3A_316 = arith.constant 15360 : i32
      %dma_wait3A_317 = tpu.memref_slice %arg4[%add3A, %dma_wait3A_316] : memref<25x40960xi32, #tpu.memory_space<hbm>> -> memref<1x5120xi32, #tpu.memory_space<hbm>>
      tpu.wait_dma2 semaphore(%arg14 : memref<!tpu.dma_semaphore, #tpu.memory_space<semaphore_mem>>) src(%arg9 : memref<1x5120xi32, #tpu.memory_space<vmem>>) dst(%dma_wait3A_317 : memref<1x5120xi32, #tpu.memory_space<hbm>>)
      %ge3A_318 = arith.constant 10 : i32
      %ge3A_319 = vector.broadcast %ge3A_318 : i32 to vector<16xi32>
      %ge3A_320 = arith.cmpi sge, %iota3A, %ge3A_319 : vector<16xi32>
      %convert_element_type3A_321 = arith.extui %ge3A_320 : vector<16xi1> to vector<16xi32>
      %mul3A_322 = arith.constant 10 : i32
      %mul3A_323 = vector.broadcast %mul3A_322 : i32 to vector<16xi32>
      %mul3A_324 = arith.muli %mul3A_323, %convert_element_type3A_321 : vector<16xi32>
      %sub3A_325 = arith.subi %iota3A, %mul3A_324 : vector<16xi32>
      %ge3A_326 = arith.constant 10 : i32
      %ge3A_327 = vector.broadcast %ge3A_326 : i32 to vector<16xi32>
      %ge3A_328 = arith.cmpi sge, %iota3A, %ge3A_327 : vector<16xi32>
      %convert_element_type3A_329 = arith.extui %ge3A_328 : vector<16xi1> to vector<16xi32>
      %scan3A_330 = arith.constant 0 : i32
      %scan3A_331 = arith.constant 320 : i32
      %scan3A_332 = arith.addi %scan3A_330, %scan3A_331 : i32
      %scan3A_333 = arith.constant 1 : i32
      %scan3A_334:2 = scf.for %scan3A_418 = %scan3A_330 to %scan3A_332 step %scan3A_333 iter_args(%scan3A_419 = %sub3A_325, %scan3A_420 = %convert_element_type3A_329) -> (vector<16xi32>, vector<16xi32>)  : i32 {
        %mul3A_421 = arith.constant 16 : i32
        %mul3A_422 = arith.muli %scan3A_418, %mul3A_421 : i32
        %gather3A = tpu.vector_load_idx %arg7[%scan3A_419, %scan3A_420] : memref<10x512xi32, #tpu.memory_space<vmem>>[vector<16xi32>, vector<16xi32>], vector<16xi32>,
        %gather3A_423 = tpu.vector_load_idx %arg5[%gather3A] : memref<100000xi32, #tpu.memory_space<vmem>>[vector<16xi32>], vector<16xi32>,
        %swap3A = arith.constant 0 : i32
        %swap3A_424 = arith.index_cast %swap3A : i32 to index
        %swap3A_425 = arith.index_cast %mul3A_422 : i32 to index
        %swap3A_426 = tpu.vector_load %arg9[%swap3A_424, %swap3A_425] {strides = array<i32>} : memref<1x5120xi32, #tpu.memory_space<vmem>>, vector<16xi32>,
        tpu.vector_store %arg9[%swap3A_424, %swap3A_425], %gather3A_423 {strides = array<i32>} : memref<1x5120xi32, #tpu.memory_space<vmem>>, vector<16xi32>,
        %add3A_427 = arith.constant 6 : i32
        %add3A_428 = vector.broadcast %add3A_427 : i32 to vector<16xi32>
        %add3A_429 = arith.addi %scan3A_419, %add3A_428 : vector<16xi32>
        %ge3A_430 = arith.constant 10 : i32
        %ge3A_431 = vector.broadcast %ge3A_430 : i32 to vector<16xi32>
        %ge3A_432 = arith.cmpi sge, %add3A_429, %ge3A_431 : vector<16xi32>
        %convert_element_type3A_433 = arith.extui %ge3A_432 : vector<16xi1> to vector<16xi32>
        %mul3A_434 = arith.constant 10 : i32
        %mul3A_435 = vector.broadcast %mul3A_434 : i32 to vector<16xi32>
        %mul3A_436 = arith.muli %mul3A_435, %convert_element_type3A_433 : vector<16xi32>
        %sub3A_437 = arith.subi %add3A_429, %mul3A_436 : vector<16xi32>
        %add3A_438 = arith.constant 1 : i32
        %add3A_439 = vector.broadcast %add3A_438 : i32 to vector<16xi32>
        %add3A_440 = arith.addi %scan3A_420, %add3A_439 : vector<16xi32>
        %add3A_441 = arith.addi %add3A_440, %convert_element_type3A_433 : vector<16xi32>
        scf.yield %sub3A_437, %add3A_441 : vector<16xi32>, vector<16xi32>
      }
      %scan3A_335 = arith.constant 320 : i32
      %dma_start3A_336 = arith.constant 25600 : i32
      %dma_start3A_337 = tpu.memref_slice %arg4[%add3A, %dma_start3A_336] : memref<25x40960xi32, #tpu.memory_space<hbm>> -> memref<1x5120xi32, #tpu.memory_space<hbm>>
      %dma_start3A_338 = arith.constant 25600 : i32
      %dma_start3A_339 = tpu.memref_slice %arg4[%add3A, %dma_start3A_338] : memref<25x40960xi32, #tpu.memory_space<hbm>> -> memref<1x5120xi32, #tpu.memory_space<hbm>>
      tpu.enqueue_dma source(%arg9 : memref<1x5120xi32, #tpu.memory_space<vmem>>) target(%dma_start3A_339 : memref<1x5120xi32, #tpu.memory_space<hbm>>) target_semaphore(%arg14 : memref<!tpu.dma_semaphore, #tpu.memory_space<semaphore_mem>>)
      %dma_start3A_340 = arith.constant 0 : i32
      %dma_start3A_341 = arith.constant 3584 : i32
      %dma_start3A_342 = tpu.memref_slice %arg3[%dma_start3A_340, %dma_start3A_341] : memref<10x4096xi32, #tpu.memory_space<hbm>> -> memref<10x512xi32, #tpu.memory_space<hbm>>
      %dma_start3A_343 = arith.constant 0 : i32
      %dma_start3A_344 = arith.constant 3584 : i32
      %dma_start3A_345 = tpu.memref_slice %arg3[%dma_start3A_343, %dma_start3A_344] : memref<10x4096xi32, #tpu.memory_space<hbm>> -> memref<10x512xi32, #tpu.memory_space<hbm>>
      tpu.enqueue_dma source(%dma_start3A_345 : memref<10x512xi32, #tpu.memory_space<hbm>>) target(%arg7 : memref<10x512xi32, #tpu.memory_space<vmem>>) target_semaphore(%arg12 : memref<!tpu.dma_semaphore, #tpu.memory_space<semaphore_mem>>)
      %dma_wait3A_346 = arith.constant 0 : i32
      %dma_wait3A_347 = arith.constant 3072 : i32
      %dma_wait3A_348 = tpu.memref_slice %arg3[%dma_wait3A_346, %dma_wait3A_347] : memref<10x4096xi32, #tpu.memory_space<hbm>> -> memref<10x512xi32, #tpu.memory_space<hbm>>
      %dma_wait3A_349 = arith.constant 0 : i32
      %dma_wait3A_350 = arith.constant 3072 : i32
      %dma_wait3A_351 = tpu.memref_slice %arg3[%dma_wait3A_349, %dma_wait3A_350] : memref<10x4096xi32, #tpu.memory_space<hbm>> -> memref<10x512xi32, #tpu.memory_space<hbm>>
      tpu.wait_dma2 semaphore(%arg11 : memref<!tpu.dma_semaphore, #tpu.memory_space<semaphore_mem>>) src(%dma_wait3A_351 : memref<10x512xi32, #tpu.memory_space<hbm>>) dst(%arg6 : memref<10x512xi32, #tpu.memory_space<vmem>>)
      %dma_wait3A_352 = arith.constant 20480 : i32
      %dma_wait3A_353 = tpu.memref_slice %arg4[%add3A, %dma_wait3A_352] : memref<25x40960xi32, #tpu.memory_space<hbm>> -> memref<1x5120xi32, #tpu.memory_space<hbm>>
      %dma_wait3A_354 = arith.constant 20480 : i32
      %dma_wait3A_355 = tpu.memref_slice %arg4[%add3A, %dma_wait3A_354] : memref<25x40960xi32, #tpu.memory_space<hbm>> -> memref<1x5120xi32, #tpu.memory_space<hbm>>
      tpu.wait_dma2 semaphore(%arg13 : memref<!tpu.dma_semaphore, #tpu.memory_space<semaphore_mem>>) src(%arg8 : memref<1x5120xi32, #tpu.memory_space<vmem>>) dst(%dma_wait3A_355 : memref<1x5120xi32, #tpu.memory_space<hbm>>)
      %ge3A_356 = arith.constant 10 : i32
      %ge3A_357 = vector.broadcast %ge3A_356 : i32 to vector<16xi32>
      %ge3A_358 = arith.cmpi sge, %iota3A, %ge3A_357 : vector<16xi32>
      %convert_element_type3A_359 = arith.extui %ge3A_358 : vector<16xi1> to vector<16xi32>
      %mul3A_360 = arith.constant 10 : i32
      %mul3A_361 = vector.broadcast %mul3A_360 : i32 to vector<16xi32>
      %mul3A_362 = arith.muli %mul3A_361, %convert_element_type3A_359 : vector<16xi32>
      %sub3A_363 = arith.subi %iota3A, %mul3A_362 : vector<16xi32>
      %ge3A_364 = arith.constant 10 : i32
      %ge3A_365 = vector.broadcast %ge3A_364 : i32 to vector<16xi32>
      %ge3A_366 = arith.cmpi sge, %iota3A, %ge3A_365 : vector<16xi32>
      %convert_element_type3A_367 = arith.extui %ge3A_366 : vector<16xi1> to vector<16xi32>
      %scan3A_368 = arith.constant 0 : i32
      %scan3A_369 = arith.constant 320 : i32
      %scan3A_370 = arith.addi %scan3A_368, %scan3A_369 : i32
      %scan3A_371 = arith.constant 1 : i32
      %scan3A_372:2 = scf.for %scan3A_418 = %scan3A_368 to %scan3A_370 step %scan3A_371 iter_args(%scan3A_419 = %sub3A_363, %scan3A_420 = %convert_element_type3A_367) -> (vector<16xi32>, vector<16xi32>)  : i32 {
        %mul3A_421 = arith.constant 16 : i32
        %mul3A_422 = arith.muli %scan3A_418, %mul3A_421 : i32
        %gather3A = tpu.vector_load_idx %arg6[%scan3A_419, %scan3A_420] : memref<10x512xi32, #tpu.memory_space<vmem>>[vector<16xi32>, vector<16xi32>], vector<16xi32>,
        %gather3A_423 = tpu.vector_load_idx %arg5[%gather3A] : memref<100000xi32, #tpu.memory_space<vmem>>[vector<16xi32>], vector<16xi32>,
        %swap3A = arith.constant 0 : i32
        %swap3A_424 = arith.index_cast %swap3A : i32 to index
        %swap3A_425 = arith.index_cast %mul3A_422 : i32 to index
        %swap3A_426 = tpu.vector_load %arg8[%swap3A_424, %swap3A_425] {strides = array<i32>} : memref<1x5120xi32, #tpu.memory_space<vmem>>, vector<16xi32>,
        tpu.vector_store %arg8[%swap3A_424, %swap3A_425], %gather3A_423 {strides = array<i32>} : memref<1x5120xi32, #tpu.memory_space<vmem>>, vector<16xi32>,
        %add3A_427 = arith.constant 6 : i32
        %add3A_428 = vector.broadcast %add3A_427 : i32 to vector<16xi32>
        %add3A_429 = arith.addi %scan3A_419, %add3A_428 : vector<16xi32>
        %ge3A_430 = arith.constant 10 : i32
        %ge3A_431 = vector.broadcast %ge3A_430 : i32 to vector<16xi32>
        %ge3A_432 = arith.cmpi sge, %add3A_429, %ge3A_431 : vector<16xi32>
        %convert_element_type3A_433 = arith.extui %ge3A_432 : vector<16xi1> to vector<16xi32>
        %mul3A_434 = arith.constant 10 : i32
        %mul3A_435 = vector.broadcast %mul3A_434 : i32 to vector<16xi32>
        %mul3A_436 = arith.muli %mul3A_435, %convert_element_type3A_433 : vector<16xi32>
        %sub3A_437 = arith.subi %add3A_429, %mul3A_436 : vector<16xi32>
        %add3A_438 = arith.constant 1 : i32
        %add3A_439 = vector.broadcast %add3A_438 : i32 to vector<16xi32>
        %add3A_440 = arith.addi %scan3A_420, %add3A_439 : vector<16xi32>
        %add3A_441 = arith.addi %add3A_440, %convert_element_type3A_433 : vector<16xi32>
        scf.yield %sub3A_437, %add3A_441 : vector<16xi32>, vector<16xi32>
      }
      %scan3A_373 = arith.constant 320 : i32
      %dma_start3A_374 = arith.constant 30720 : i32
      %dma_start3A_375 = tpu.memref_slice %arg4[%add3A, %dma_start3A_374] : memref<25x40960xi32, #tpu.memory_space<hbm>> -> memref<1x5120xi32, #tpu.memory_space<hbm>>
      %dma_start3A_376 = arith.constant 30720 : i32
      %dma_start3A_377 = tpu.memref_slice %arg4[%add3A, %dma_start3A_376] : memref<25x40960xi32, #tpu.memory_space<hbm>> -> memref<1x5120xi32, #tpu.memory_space<hbm>>
      tpu.enqueue_dma source(%arg8 : memref<1x5120xi32, #tpu.memory_space<vmem>>) target(%dma_start3A_377 : memref<1x5120xi32, #tpu.memory_space<hbm>>) target_semaphore(%arg13 : memref<!tpu.dma_semaphore, #tpu.memory_space<semaphore_mem>>)
      %dma_wait3A_378 = arith.constant 0 : i32
      %dma_wait3A_379 = arith.constant 3584 : i32
      %dma_wait3A_380 = tpu.memref_slice %arg3[%dma_wait3A_378, %dma_wait3A_379] : memref<10x4096xi32, #tpu.memory_space<hbm>> -> memref<10x512xi32, #tpu.memory_space<hbm>>
      %dma_wait3A_381 = arith.constant 0 : i32
      %dma_wait3A_382 = arith.constant 3584 : i32
      %dma_wait3A_383 = tpu.memref_slice %arg3[%dma_wait3A_381, %dma_wait3A_382] : memref<10x4096xi32, #tpu.memory_space<hbm>> -> memref<10x512xi32, #tpu.memory_space<hbm>>
      tpu.wait_dma2 semaphore(%arg12 : memref<!tpu.dma_semaphore, #tpu.memory_space<semaphore_mem>>) src(%dma_wait3A_383 : memref<10x512xi32, #tpu.memory_space<hbm>>) dst(%arg7 : memref<10x512xi32, #tpu.memory_space<vmem>>)
      %dma_wait3A_384 = arith.constant 25600 : i32
      %dma_wait3A_385 = tpu.memref_slice %arg4[%add3A, %dma_wait3A_384] : memref<25x40960xi32, #tpu.memory_space<hbm>> -> memref<1x5120xi32, #tpu.memory_space<hbm>>
      %dma_wait3A_386 = arith.constant 25600 : i32
      %dma_wait3A_387 = tpu.memref_slice %arg4[%add3A, %dma_wait3A_386] : memref<25x40960xi32, #tpu.memory_space<hbm>> -> memref<1x5120xi32, #tpu.memory_space<hbm>>
      tpu.wait_dma2 semaphore(%arg14 : memref<!tpu.dma_semaphore, #tpu.memory_space<semaphore_mem>>) src(%arg9 : memref<1x5120xi32, #tpu.memory_space<vmem>>) dst(%dma_wait3A_387 : memref<1x5120xi32, #tpu.memory_space<hbm>>)
      %ge3A_388 = arith.constant 10 : i32
      %ge3A_389 = vector.broadcast %ge3A_388 : i32 to vector<16xi32>
      %ge3A_390 = arith.cmpi sge, %iota3A, %ge3A_389 : vector<16xi32>
      %convert_element_type3A_391 = arith.extui %ge3A_390 : vector<16xi1> to vector<16xi32>
      %mul3A_392 = arith.constant 10 : i32
      %mul3A_393 = vector.broadcast %mul3A_392 : i32 to vector<16xi32>
      %mul3A_394 = arith.muli %mul3A_393, %convert_element_type3A_391 : vector<16xi32>
      %sub3A_395 = arith.subi %iota3A, %mul3A_394 : vector<16xi32>
      %ge3A_396 = arith.constant 10 : i32
      %ge3A_397 = vector.broadcast %ge3A_396 : i32 to vector<16xi32>
      %ge3A_398 = arith.cmpi sge, %iota3A, %ge3A_397 : vector<16xi32>
      %convert_element_type3A_399 = arith.extui %ge3A_398 : vector<16xi1> to vector<16xi32>
      %scan3A_400 = arith.constant 0 : i32
      %scan3A_401 = arith.constant 320 : i32
      %scan3A_402 = arith.addi %scan3A_400, %scan3A_401 : i32
      %scan3A_403 = arith.constant 1 : i32
      %scan3A_404:2 = scf.for %scan3A_418 = %scan3A_400 to %scan3A_402 step %scan3A_403 iter_args(%scan3A_419 = %sub3A_395, %scan3A_420 = %convert_element_type3A_399) -> (vector<16xi32>, vector<16xi32>)  : i32 {
        %mul3A_421 = arith.constant 16 : i32
        %mul3A_422 = arith.muli %scan3A_418, %mul3A_421 : i32
        %gather3A = tpu.vector_load_idx %arg7[%scan3A_419, %scan3A_420] : memref<10x512xi32, #tpu.memory_space<vmem>>[vector<16xi32>, vector<16xi32>], vector<16xi32>,
        %gather3A_423 = tpu.vector_load_idx %arg5[%gather3A] : memref<100000xi32, #tpu.memory_space<vmem>>[vector<16xi32>], vector<16xi32>,
        %swap3A = arith.constant 0 : i32
        %swap3A_424 = arith.index_cast %swap3A : i32 to index
        %swap3A_425 = arith.index_cast %mul3A_422 : i32 to index
        %swap3A_426 = tpu.vector_load %arg9[%swap3A_424, %swap3A_425] {strides = array<i32>} : memref<1x5120xi32, #tpu.memory_space<vmem>>, vector<16xi32>,
        tpu.vector_store %arg9[%swap3A_424, %swap3A_425], %gather3A_423 {strides = array<i32>} : memref<1x5120xi32, #tpu.memory_space<vmem>>, vector<16xi32>,
        %add3A_427 = arith.constant 6 : i32
        %add3A_428 = vector.broadcast %add3A_427 : i32 to vector<16xi32>
        %add3A_429 = arith.addi %scan3A_419, %add3A_428 : vector<16xi32>
        %ge3A_430 = arith.constant 10 : i32
        %ge3A_431 = vector.broadcast %ge3A_430 : i32 to vector<16xi32>
        %ge3A_432 = arith.cmpi sge, %add3A_429, %ge3A_431 : vector<16xi32>
        %convert_element_type3A_433 = arith.extui %ge3A_432 : vector<16xi1> to vector<16xi32>
        %mul3A_434 = arith.constant 10 : i32
        %mul3A_435 = vector.broadcast %mul3A_434 : i32 to vector<16xi32>
        %mul3A_436 = arith.muli %mul3A_435, %convert_element_type3A_433 : vector<16xi32>
        %sub3A_437 = arith.subi %add3A_429, %mul3A_436 : vector<16xi32>
        %add3A_438 = arith.constant 1 : i32
        %add3A_439 = vector.broadcast %add3A_438 : i32 to vector<16xi32>
        %add3A_440 = arith.addi %scan3A_420, %add3A_439 : vector<16xi32>
        %add3A_441 = arith.addi %add3A_440, %convert_element_type3A_433 : vector<16xi32>
        scf.yield %sub3A_437, %add3A_441 : vector<16xi32>, vector<16xi32>
      }
      %scan3A_405 = arith.constant 320 : i32
      %dma_start3A_406 = arith.constant 35840 : i32
      %dma_start3A_407 = tpu.memref_slice %arg4[%add3A, %dma_start3A_406] : memref<25x40960xi32, #tpu.memory_space<hbm>> -> memref<1x5120xi32, #tpu.memory_space<hbm>>
      %dma_start3A_408 = arith.constant 35840 : i32
      %dma_start3A_409 = tpu.memref_slice %arg4[%add3A, %dma_start3A_408] : memref<25x40960xi32, #tpu.memory_space<hbm>> -> memref<1x5120xi32, #tpu.memory_space<hbm>>
      tpu.enqueue_dma source(%arg9 : memref<1x5120xi32, #tpu.memory_space<vmem>>) target(%dma_start3A_409 : memref<1x5120xi32, #tpu.memory_space<hbm>>) target_semaphore(%arg14 : memref<!tpu.dma_semaphore, #tpu.memory_space<semaphore_mem>>)
      %dma_wait3A_410 = arith.constant 30720 : i32
      %dma_wait3A_411 = tpu.memref_slice %arg4[%add3A, %dma_wait3A_410] : memref<25x40960xi32, #tpu.memory_space<hbm>> -> memref<1x5120xi32, #tpu.memory_space<hbm>>
      %dma_wait3A_412 = arith.constant 30720 : i32
      %dma_wait3A_413 = tpu.memref_slice %arg4[%add3A, %dma_wait3A_412] : memref<25x40960xi32, #tpu.memory_space<hbm>> -> memref<1x5120xi32, #tpu.memory_space<hbm>>
      tpu.wait_dma2 semaphore(%arg13 : memref<!tpu.dma_semaphore, #tpu.memory_space<semaphore_mem>>) src(%arg8 : memref<1x5120xi32, #tpu.memory_space<vmem>>) dst(%dma_wait3A_413 : memref<1x5120xi32, #tpu.memory_space<hbm>>)
      %dma_wait3A_414 = arith.constant 35840 : i32
      %dma_wait3A_415 = tpu.memref_slice %arg4[%add3A, %dma_wait3A_414] : memref<25x40960xi32, #tpu.memory_space<hbm>> -> memref<1x5120xi32, #tpu.memory_space<hbm>>
      %dma_wait3A_416 = arith.constant 35840 : i32
      %dma_wait3A_417 = tpu.memref_slice %arg4[%add3A, %dma_wait3A_416] : memref<25x40960xi32, #tpu.memory_space<hbm>> -> memref<1x5120xi32, #tpu.memory_space<hbm>>
      tpu.wait_dma2 semaphore(%arg14 : memref<!tpu.dma_semaphore, #tpu.memory_space<semaphore_mem>>) src(%arg9 : memref<1x5120xi32, #tpu.memory_space<vmem>>) dst(%dma_wait3A_417 : memref<1x5120xi32, #tpu.memory_space<hbm>>)
    } else {
    }
    return
  }
}

#map = affine_map<(d0, d1) -> (0, 0)>
#map1 = affine_map<(d0, d1) -> (0)>
module attributes {stable_mosaic.version = 14 : i64} {
  func.func @_hop0_kernel(%arg0: i32, %arg1: i32, %arg2: memref<64x100000xi32, #tpu.memory_space<hbm>>, %arg3: memref<4096xi32, #tpu.memory_space<hbm>>, %arg4: memref<10x4096xi32, #tpu.memory_space<hbm>>, %arg5: memref<100000xi32, #tpu.memory_space<vmem>>, %arg6: memref<4096xi32, #tpu.memory_space<vmem>>, %arg7: memref<1x4096xi32, #tpu.memory_space<vmem>>, %arg8: memref<!tpu.dma_semaphore, #tpu.memory_space<semaphore_mem>>) attributes {dimension_semantics = [#tpu.dimension_semantics<core_parallel>, #tpu.dimension_semantics<subcore_parallel>], iteration_bounds = array<i64: 2, 16>, scalar_prefetch = 0 : i64, scratch_operands = 4 : i64, tpu.core_type = #tpu.core_type<sc_vector_subcore>, window_params = [{transform_indices = #map}, {transform_indices = #map1}, {transform_indices = #map}]} {
    %mul3A = arith.constant 2 : i32
    %mul3A_0 = arith.muli %arg1, %mul3A : i32
    %add3A = arith.addi %mul3A_0, %arg0 : i32
    %eq3A = arith.constant 0 : i32
    %eq3A_1 = arith.cmpi eq, %add3A, %eq3A : i32
    %jit3A = arith.constant 17 : i32
    %jit3A_2 = arith.constant 28 : i32
    %select_n3A = arith.select %eq3A_1, %jit3A, %jit3A_2 : i32
    %eq3A_3 = arith.constant 1 : i32
    %eq3A_4 = arith.cmpi eq, %add3A, %eq3A_3 : i32
    %jit3A_5 = arith.constant 27 : i32
    %select_n3A_6 = arith.select %eq3A_4, %jit3A_5, %select_n3A : i32
    %eq3A_7 = arith.constant 2 : i32
    %eq3A_8 = arith.cmpi eq, %add3A, %eq3A_7 : i32
    %jit3A_9 = arith.constant 42 : i32
    %select_n3A_10 = arith.select %eq3A_8, %jit3A_9, %select_n3A_6 : i32
    %eq3A_11 = arith.constant 3 : i32
    %eq3A_12 = arith.cmpi eq, %add3A, %eq3A_11 : i32
    %jit3A_13 = arith.constant 32 : i32
    %select_n3A_14 = arith.select %eq3A_12, %jit3A_13, %select_n3A_10 : i32
    %eq3A_15 = arith.constant 4 : i32
    %eq3A_16 = arith.cmpi eq, %add3A, %eq3A_15 : i32
    %jit3A_17 = arith.constant 1 : i32
    %select_n3A_18 = arith.select %eq3A_16, %jit3A_17, %select_n3A_14 : i32
    %eq3A_19 = arith.constant 5 : i32
    %eq3A_20 = arith.cmpi eq, %add3A, %eq3A_19 : i32
    %jit3A_21 = arith.constant 3 : i32
    %select_n3A_22 = arith.select %eq3A_20, %jit3A_21, %select_n3A_18 : i32
    %eq3A_23 = arith.constant 6 : i32
    %eq3A_24 = arith.cmpi eq, %add3A, %eq3A_23 : i32
    %jit3A_25 = arith.constant 58 : i32
    %select_n3A_26 = arith.select %eq3A_24, %jit3A_25, %select_n3A_22 : i32
    %eq3A_27 = arith.constant 7 : i32
    %eq3A_28 = arith.cmpi eq, %add3A, %eq3A_27 : i32
    %jit3A_29 = arith.constant 51 : i32
    %select_n3A_30 = arith.select %eq3A_28, %jit3A_29, %select_n3A_26 : i32
    %eq3A_31 = arith.constant 8 : i32
    %eq3A_32 = arith.cmpi eq, %add3A, %eq3A_31 : i32
    %jit3A_33 = arith.constant 40 : i32
    %select_n3A_34 = arith.select %eq3A_32, %jit3A_33, %select_n3A_30 : i32
    %lt3A = arith.constant 10 : i32
    %lt3A_35 = arith.cmpi slt, %add3A, %lt3A : i32
    %convert_element_type3A = arith.extui %lt3A_35 : i1 to i32
    %cond3A = arith.constant 0 : i32
    %cond3A_36 = arith.cmpi ne, %convert_element_type3A, %cond3A : i32
    scf.if %cond3A_36 {
      %run_scoped3A = arith.constant 0 : i32
      "tpu.region"() ({
        %run_scoped3A_48 = tpu.sem_alloc : memref<!tpu.dma_semaphore, #tpu.memory_space<semaphore_mem>>
        %dma_start3A_49 = arith.constant 0 : i32
        %dma_start3A_50 = tpu.memref_slice %arg2[%select_n3A_34, %dma_start3A_49] : memref<64x100000xi32, #tpu.memory_space<hbm>> -> memref<1x100000xi32, #tpu.memory_space<hbm>>
        %dma_start3A_51 = arith.constant 0 : i32
        %dma_start3A_52 = tpu.memref_slice %dma_start3A_50[%run_scoped3A, %dma_start3A_51] : memref<1x100000xi32, #tpu.memory_space<hbm>> -> memref<1x100000xi32, #tpu.memory_space<hbm>>
        %dma_start3A_53 = tpu.memref_squeeze %dma_start3A_52 : memref<1x100000xi32, #tpu.memory_space<hbm>> -> memref<100000xi32, #tpu.memory_space<hbm>>
        %dma_start3A_54 = arith.constant 0 : i32
        %dma_start3A_55 = tpu.memref_slice %arg2[%select_n3A_34, %dma_start3A_54] : memref<64x100000xi32, #tpu.memory_space<hbm>> -> memref<1x100000xi32, #tpu.memory_space<hbm>>
        %dma_start3A_56 = arith.constant 0 : i32
        %dma_start3A_57 = tpu.memref_slice %dma_start3A_55[%run_scoped3A, %dma_start3A_56] : memref<1x100000xi32, #tpu.memory_space<hbm>> -> memref<1x100000xi32, #tpu.memory_space<hbm>>
        %dma_start3A_58 = tpu.memref_squeeze %dma_start3A_57 : memref<1x100000xi32, #tpu.memory_space<hbm>> -> memref<100000xi32, #tpu.memory_space<hbm>>
        tpu.enqueue_dma source(%dma_start3A_58 : memref<100000xi32, #tpu.memory_space<hbm>>) target(%arg5 : memref<100000xi32, #tpu.memory_space<vmem>>) target_semaphore(%run_scoped3A_48 : memref<!tpu.dma_semaphore, #tpu.memory_space<semaphore_mem>>)
        %dma_wait3A_59 = arith.constant 0 : i32
        %dma_wait3A_60 = tpu.memref_slice %arg2[%select_n3A_34, %dma_wait3A_59] : memref<64x100000xi32, #tpu.memory_space<hbm>> -> memref<1x100000xi32, #tpu.memory_space<hbm>>
        %dma_wait3A_61 = arith.constant 0 : i32
        %dma_wait3A_62 = tpu.memref_slice %dma_wait3A_60[%run_scoped3A, %dma_wait3A_61] : memref<1x100000xi32, #tpu.memory_space<hbm>> -> memref<1x100000xi32, #tpu.memory_space<hbm>>
        %dma_wait3A_63 = tpu.memref_squeeze %dma_wait3A_62 : memref<1x100000xi32, #tpu.memory_space<hbm>> -> memref<100000xi32, #tpu.memory_space<hbm>>
        %dma_wait3A_64 = arith.constant 0 : i32
        %dma_wait3A_65 = tpu.memref_slice %arg2[%select_n3A_34, %dma_wait3A_64] : memref<64x100000xi32, #tpu.memory_space<hbm>> -> memref<1x100000xi32, #tpu.memory_space<hbm>>
        %dma_wait3A_66 = arith.constant 0 : i32
        %dma_wait3A_67 = tpu.memref_slice %dma_wait3A_65[%run_scoped3A, %dma_wait3A_66] : memref<1x100000xi32, #tpu.memory_space<hbm>> -> memref<1x100000xi32, #tpu.memory_space<hbm>>
        %dma_wait3A_68 = tpu.memref_squeeze %dma_wait3A_67 : memref<1x100000xi32, #tpu.memory_space<hbm>> -> memref<100000xi32, #tpu.memory_space<hbm>>
        tpu.wait_dma2 semaphore(%run_scoped3A_48 : memref<!tpu.dma_semaphore, #tpu.memory_space<semaphore_mem>>) src(%dma_wait3A_68 : memref<100000xi32, #tpu.memory_space<hbm>>) dst(%arg5 : memref<100000xi32, #tpu.memory_space<vmem>>)
        tpu.yield
      }) : () -> ()
      "tpu.region"() ({
        %run_scoped3A_48 = tpu.sem_alloc : memref<!tpu.dma_semaphore, #tpu.memory_space<semaphore_mem>>
        tpu.enqueue_dma source(%arg3 : memref<4096xi32, #tpu.memory_space<hbm>>) target(%arg6 : memref<4096xi32, #tpu.memory_space<vmem>>) target_semaphore(%run_scoped3A_48 : memref<!tpu.dma_semaphore, #tpu.memory_space<semaphore_mem>>)
        tpu.wait_dma2 semaphore(%run_scoped3A_48 : memref<!tpu.dma_semaphore, #tpu.memory_space<semaphore_mem>>) src(%arg3 : memref<4096xi32, #tpu.memory_space<hbm>>) dst(%arg6 : memref<4096xi32, #tpu.memory_space<vmem>>)
        tpu.yield
      }) : () -> ()
      %scan3A = arith.constant 0 : i32
      %scan3A_37 = arith.constant 0 : i32
      %scan3A_38 = arith.constant 64 : i32
      %scan3A_39 = arith.addi %scan3A_37, %scan3A_38 : i32
      %scan3A_40 = arith.constant 1 : i32
      scf.for %scan3A_48 = %scan3A_37 to %scan3A_39 step %scan3A_40  : i32 {
        %mul3A_49 = arith.constant 64 : i32
        %mul3A_50 = arith.muli %scan3A_48, %mul3A_49 : i32
        %add3A_51 = arith.constant 0 : i32
        %add3A_52 = arith.addi %mul3A_50, %add3A_51 : i32
        %get3A = arith.index_cast %add3A_52 : i32 to index
        %get3A_53 = tpu.vector_load %arg6[%get3A] {strides = array<i32>} : memref<4096xi32, #tpu.memory_space<vmem>>, vector<16xi32>,
        %gather3A = tpu.vector_load_idx %arg5[%get3A_53] : memref<100000xi32, #tpu.memory_space<vmem>>[vector<16xi32>], vector<16xi32>,
        %swap3A = arith.constant 0 : i32
        %swap3A_54 = arith.index_cast %swap3A : i32 to index
        %swap3A_55 = arith.index_cast %add3A_52 : i32 to index
        %swap3A_56 = tpu.vector_load %arg7[%swap3A_54, %swap3A_55] {strides = array<i32>} : memref<1x4096xi32, #tpu.memory_space<vmem>>, vector<16xi32>,
        tpu.vector_store %arg7[%swap3A_54, %swap3A_55], %gather3A {strides = array<i32>} : memref<1x4096xi32, #tpu.memory_space<vmem>>, vector<16xi32>,
        %mul3A_57 = arith.constant 64 : i32
        %mul3A_58 = arith.muli %scan3A_48, %mul3A_57 : i32
        %add3A_59 = arith.constant 16 : i32
        %add3A_60 = arith.addi %mul3A_58, %add3A_59 : i32
        %get3A_61 = arith.index_cast %add3A_60 : i32 to index
        %get3A_62 = tpu.vector_load %arg6[%get3A_61] {strides = array<i32>} : memref<4096xi32, #tpu.memory_space<vmem>>, vector<16xi32>,
        %gather3A_63 = tpu.vector_load_idx %arg5[%get3A_62] : memref<100000xi32, #tpu.memory_space<vmem>>[vector<16xi32>], vector<16xi32>,
        %swap3A_64 = arith.constant 0 : i32
        %swap3A_65 = arith.index_cast %swap3A_64 : i32 to index
        %swap3A_66 = arith.index_cast %add3A_60 : i32 to index
        %swap3A_67 = tpu.vector_load %arg7[%swap3A_65, %swap3A_66] {strides = array<i32>} : memref<1x4096xi32, #tpu.memory_space<vmem>>, vector<16xi32>,
        tpu.vector_store %arg7[%swap3A_65, %swap3A_66], %gather3A_63 {strides = array<i32>} : memref<1x4096xi32, #tpu.memory_space<vmem>>, vector<16xi32>,
        %mul3A_68 = arith.constant 64 : i32
        %mul3A_69 = arith.muli %scan3A_48, %mul3A_68 : i32
        %add3A_70 = arith.constant 32 : i32
        %add3A_71 = arith.addi %mul3A_69, %add3A_70 : i32
        %get3A_72 = arith.index_cast %add3A_71 : i32 to index
        %get3A_73 = tpu.vector_load %arg6[%get3A_72] {strides = array<i32>} : memref<4096xi32, #tpu.memory_space<vmem>>, vector<16xi32>,
        %gather3A_74 = tpu.vector_load_idx %arg5[%get3A_73] : memref<100000xi32, #tpu.memory_space<vmem>>[vector<16xi32>], vector<16xi32>,
        %swap3A_75 = arith.constant 0 : i32
        %swap3A_76 = arith.index_cast %swap3A_75 : i32 to index
        %swap3A_77 = arith.index_cast %add3A_71 : i32 to index
        %swap3A_78 = tpu.vector_load %arg7[%swap3A_76, %swap3A_77] {strides = array<i32>} : memref<1x4096xi32, #tpu.memory_space<vmem>>, vector<16xi32>,
        tpu.vector_store %arg7[%swap3A_76, %swap3A_77], %gather3A_74 {strides = array<i32>} : memref<1x4096xi32, #tpu.memory_space<vmem>>, vector<16xi32>,
        %mul3A_79 = arith.constant 64 : i32
        %mul3A_80 = arith.muli %scan3A_48, %mul3A_79 : i32
        %add3A_81 = arith.constant 48 : i32
        %add3A_82 = arith.addi %mul3A_80, %add3A_81 : i32
        %get3A_83 = arith.index_cast %add3A_82 : i32 to index
        %get3A_84 = tpu.vector_load %arg6[%get3A_83] {strides = array<i32>} : memref<4096xi32, #tpu.memory_space<vmem>>, vector<16xi32>,
        %gather3A_85 = tpu.vector_load_idx %arg5[%get3A_84] : memref<100000xi32, #tpu.memory_space<vmem>>[vector<16xi32>], vector<16xi32>,
        %swap3A_86 = arith.constant 0 : i32
        %swap3A_87 = arith.index_cast %swap3A_86 : i32 to index
        %swap3A_88 = arith.index_cast %add3A_82 : i32 to index
        %swap3A_89 = tpu.vector_load %arg7[%swap3A_87, %swap3A_88] {strides = array<i32>} : memref<1x4096xi32, #tpu.memory_space<vmem>>, vector<16xi32>,
        tpu.vector_store %arg7[%swap3A_87, %swap3A_88], %gather3A_85 {strides = array<i32>} : memref<1x4096xi32, #tpu.memory_space<vmem>>, vector<16xi32>,
      }
      %scan3A_41 = arith.constant 64 : i32
      %dma_start3A = arith.constant 0 : i32
      %dma_start3A_42 = tpu.memref_slice %arg4[%add3A, %dma_start3A] : memref<10x4096xi32, #tpu.memory_space<hbm>> -> memref<1x4096xi32, #tpu.memory_space<hbm>>
      %dma_start3A_43 = arith.constant 0 : i32
      %dma_start3A_44 = tpu.memref_slice %arg4[%add3A, %dma_start3A_43] : memref<10x4096xi32, #tpu.memory_space<hbm>> -> memref<1x4096xi32, #tpu.memory_space<hbm>>
      tpu.enqueue_dma source(%arg7 : memref<1x4096xi32, #tpu.memory_space<vmem>>) target(%dma_start3A_44 : memref<1x4096xi32, #tpu.memory_space<hbm>>) target_semaphore(%arg8 : memref<!tpu.dma_semaphore, #tpu.memory_space<semaphore_mem>>)
      %dma_wait3A = arith.constant 0 : i32
      %dma_wait3A_45 = tpu.memref_slice %arg4[%add3A, %dma_wait3A] : memref<10x4096xi32, #tpu.memory_space<hbm>> -> memref<1x4096xi32, #tpu.memory_space<hbm>>
      %dma_wait3A_46 = arith.constant 0 : i32
      %dma_wait3A_47 = tpu.memref_slice %arg4[%add3A, %dma_wait3A_46] : memref<10x4096xi32, #tpu.memory_space<hbm>> -> memref<1x4096xi32, #tpu.memory_space<hbm>>
      tpu.wait_dma2 semaphore(%arg8 : memref<!tpu.dma_semaphore, #tpu.memory_space<semaphore_mem>>) src(%arg7 : memref<1x4096xi32, #tpu.memory_space<vmem>>) dst(%dma_wait3A_47 : memref<1x4096xi32, #tpu.memory_space<hbm>>)
    } else {
    }
    return
  }
}

</mosaic_0001>

<sc_bundles>
// kernel: kernel.4.cloned.1.call-start
scs
__scs_entry_jumppad:
0x0: {  	(pc) =	sbr.rel $0x88, $3  }
0x1: {  	(tag) =	ssettag $0x0;
	lr =	simm.s32 $0x1  }
0x2: {  	[smem:$0x3F9F] =	sst lr;
	_ =	strace $0xD0000000  }
0x3: {  	_ = 	snop  }
0x4: {  	_ = 	snop  }
0x5: {  	_ = 	snop  }
0x6: {  	_ = 	snop  }
0x7: {  	_ = 	snop  }
__scs_overlays_trampoline_lowered:
0x8: {  	[smem:$0x3FAE] =	sst s0  }
0x9: {  	[smem:$0x3FAF] =	sst s1  }
0xa: {  	[smem:$0x3FB0] =	sst s2  }
0xb: {  	[smem:$0x3FB1] =	sst s3  }
0xc: {  	[smem:$0x3FB2] =	sst s4  }
0xd: {  	[smem:$0x3FB3] =	sst s5  }
0xe: {  	[smem:$0x3FB4] =	sst s6  }
0xf: {  	[smem:$0x3FB5] =	sst s7  }
0x10: {  	[smem:$0x3FB6] =	sst s8  }
0x11: {  	[smem:$0x3FB7] =	sst s9;
	s0 =	simm.s32 @!p0 $0x0  }
0x12: {  	s1 =	sld [smem:$0x3F9D];
	s0 =	simm.s32 @p0 $0x1  }
0x13: {  	[smem:$0x3FB8] =	sst s0;
	s0 =	simm.s32 @!p1 $0x0  }
0x14: {  	s2 =	sld [smem:$0x3F9C];
	s0 =	simm.s32 @p1 $0x1  }
0x15: {  	[smem:$0x3FB9] =	sst s0;
	s0 =	simm.s32 @!p2 $0x0  }
0x16: {  	s3 =	sld [smem:$0x3FDB];
	s0 =	simm.s32 @p2 $0x1  }
0x17: {  	s4 =	simm.s32 $0x1BF5;
	[smem:$0x3FBB] =	sst s0  }
0x18: {  	s0 =	sld [smem:$0x3F9E];
	_ =	swait.ge [sflag:s4], $0x0  }
0x19: {  	s7 =	sld [smem:$0x3F9F]  }
0x1a: {  	s8 =	sadd.s32 $0xFFFFE003, lr  }
0x1b: {  	s9 =	sadd.s32 $0xFFFFFEF7, lr;
	s5 =	simm.s32 $0xFFFFFFFF;
	p2 =	slt.u32 s8, $0xFFFFF086  }
0x1c: {  	p1 =	slt.u32 s9, $0xF7A;
	s5 =	simm.s32 @!p2 $0x0  }
0x1d: {  	s5 =	simm.s32 @p1 $0x1;
	p0 =	seq.s32 s7, s2  }
0x1e: {  	s7 =	smul.u32 @!p0 $0xF7A, s2;
	p2 =	seq.s32 @!p0 s5, $0x0  }
0x1f: {  	s9 =	smul.u32 $0xF7A, s1;
	s8 =	simm.s32 @!p0 $0x1BF5;
	p2 =	por !p2, p0  }
0x20: {  	[sflag:s8] =	ssyncset.s32 @!p0 $0xFFFFF086;
	s6 =	sadd.s32 @!p0 s3, s7;
	s7 =	simm.s32 @!p0 $0x108  }
0x21: {  	s3 =	sadd.s32 s3, s9;
	s6 =	sadd.s32 @!p0 $0x88, s6;
	s7 =	simm.s32 @p2 $0x1082  }
0x22: {  	[simem:s7], [sflag:s8] =	dma.local @!p0 [hbm:s6], $0xF7A  }
0x23: {  	s9 =	sor.u32 $0xD0000000, s2;
	s6 =	simm.s32 $0x108;
	_ =	swait.ge @!p0 [sflag:s8], $0x0  }
0x24: {  	s3 =	sadd.s32 $0x88, s3;
	s6 =	simm.s32 @!p1 $0x1082;
	[sflag:s4] =	ssyncset.s32 $0xFFFFF086  }
0x25: {  	[simem:s6], [sflag:s4] =	dma.local [hbm:s3], $0xF7A  }
0x26: {  	[smem:$0x3F9F] =	sst s1;
	(tag) =	ssettag s2;
	_ =	strace s9  }
0x27: {  	s1 =	sld [smem:$0x3FAF]  }
0x28: {  	s2 =	sld [smem:$0x3FB0]  }
0x29: {  	s4 =	sld [smem:$0x3FB2]  }
0x2a: {  	p0 =	seq.s32 s5, $0x0;
	s5 =	sld [smem:$0x3FB3]  }
0x2b: {  	s6 =	sld [smem:$0x3FB4]  }
0x2c: {  	s7 =	sld [smem:$0x3FB5]  }
0x2d: {  	s3 =	simm.s32 $0x108;
	s8 =	sld [smem:$0x3FB6]  }
0x2e: {  	s3 =	simm.s32 @!p0 $0x1082;
	s9 =	sld [smem:$0x3FB7]  }
0x2f: {  	lr =	sadd.s32 s0, s3;
	s0 =	sld [smem:$0x3FAE]  }
0x30: {  	s3 =	sld [smem:$0x3FB1]  }
0x31: {  	[smem:$0x3FBA] =	sst s10  }
0x32: {  	s10 =	sld [smem:$0x3FB8];
	_ =	sdelay $0x3  }
0x33: {  	p0 =	seq.s32 s10, $0x1;
	s10 =	sld [smem:$0x3FBA];
	_ =	sdelay $0x3  }
0x34: {  	[smem:$0x3FBA] =	sst s10  }
0x35: {  	s10 =	sld [smem:$0x3FB9];
	_ =	sdelay $0x3  }
0x36: {  	p1 =	seq.s32 s10, $0x1;
	s10 =	sld [smem:$0x3FBA];
	_ =	sdelay $0x3  }
0x37: {  	[smem:$0x3FBA] =	sst s10  }
0x38: {  	s10 =	sld [smem:$0x3FBB]  }
0x39: {  	_ = 	snop;
	(pc) =	sbr.ind lr, $3  }
0x3a: {  	_ = 	snop  }
0x3b: {  	_ = 	snop  }
0x3c: {  	p2 =	seq.s32 s10, $0x1;
	s10 =	sld [smem:$0x3FBA]  }
0x3d: {  	_ =	shalt  }
0x3e: {  	_ =	shalt  }
0x3f: {  	_ =	shalt  }
0x40: {  	_ =	shalt  }
0x41: {  	_ =	shalt  }
0x42: {  	_ =	shalt  }
0x43: {  	_ =	shalt  }
0x44: {  	_ =	shalt  }
0x45: {  	_ =	shalt  }
0x46: {  	_ =	shalt  }
0x47: {  	_ =	shalt  }
0x48: {  	_ =	shalt  }
0x49: {  	_ =	shalt  }
0x4a: {  	_ =	shalt  }
0x4b: {  	_ =	shalt  }
0x4c: {  	_ =	shalt  }
0x4d: {  	_ =	shalt  }
0x4e: {  	_ =	shalt  }
0x4f: {  	_ =	shalt  }
0x50: {  	_ =	shalt  }
0x51: {  	_ =	shalt  }
0x52: {  	_ =	shalt  }
0x53: {  	_ =	shalt  }
0x54: {  	_ =	shalt  }
0x55: {  	_ =	shalt  }
0x56: {  	_ =	shalt  }
0x57: {  	_ =	shalt  }
0x58: {  	_ =	shalt  }
0x59: {  	_ =	shalt  }
0x5a: {  	_ =	shalt  }
0x5b: {  	_ =	shalt  }
0x5c: {  	_ =	shalt  }
0x5d: {  	_ =	shalt  }
0x5e: {  	_ =	shalt  }
0x5f: {  	_ =	shalt  }
0x60: {  	_ =	shalt  }
0x61: {  	_ =	shalt  }
0x62: {  	_ =	shalt  }
0x63: {  	_ =	shalt  }
0x64: {  	_ =	shalt  }
0x65: {  	_ =	shalt  }
0x66: {  	_ =	shalt  }
0x67: {  	_ =	shalt  }
0x68: {  	_ =	shalt  }
0x69: {  	_ =	shalt  }
0x6a: {  	_ =	shalt  }
0x6b: {  	_ =	shalt  }
0x6c: {  	_ =	shalt  }
0x6d: {  	_ =	shalt  }
0x6e: {  	_ =	shalt  }
0x6f: {  	_ =	shalt  }
0x70: {  	_ =	shalt  }
0x71: {  	_ =	shalt  }
0x72: {  	_ =	shalt  }
0x73: {  	_ =	shalt  }
0x74: {  	_ =	shalt  }
0x75: {  	_ =	shalt  }
0x76: {  	_ =	shalt  }
0x77: {  	_ =	shalt  }
0x78: {  	_ =	shalt  }
0x79: {  	_ =	shalt  }
0x7a: {  	_ =	shalt  }
0x7b: {  	_ =	shalt  }
0x7c: {  	_ =	shalt  }
0x7d: {  	_ =	shalt  }
0x7e: {  	_ =	shalt  }
0x7f: {  	_ =	shalt  }
0x80: {  	_ =	shalt  }
0x81: {  	_ =	shalt  }
0x82: {  	_ =	shalt  }
0x83: {  	_ =	shalt  }
0x84: {  	_ =	shalt  }
0x85: {  	_ =	shalt  }
0x86: {  	_ =	shalt  }
0x87: {  	_ =	shalt  }
.Lfunc_end0:
.L_simem_size_0:
called_computation_lowered:
.L_overlay_start_0:
0x88: {  	s2 =	sld [smem:$0x3FD9]  }
0x89: {  	s3 =	sld [smem:$0x3FFE];
	_ =	sdelay $0x1  }
0x8a: {  	s1 =	srdreg.scid  }
0x8b: {  	s0 =	sand.u32 $0x1, s1  }
0x8c: {  	s15 =	sshll.u32 s0, $0xA;
	s2 =	sadd.s32 s3, s2  }
0x8d: {  	s2 =	sadd.s32 s2, s15  }
0x8e: {  	[smem:$0x3FC6] =	sst s2  }
0x8f: {  	_ = 	snop  }
0x90: {  	s2 =	sld [smem:$0x3FD0];
	_ =	sdelay $0x1  }
0x91: {  	s16 =	sld [smem:$0x3FC9]  }
0x92: {  	s5 =	simm.s32 $0xA;
	s6 =	simm.s32 $0x10;
	s4 =	sld [smem:$0x3FC8]  }
0x93: {  	[smem:s6], [sflag:s5] =	dma.local [hbm:s2], $0x1  }
0x94: {  	_ =	swait.eq [sflag:s5], $0x1  }
0x95: {  	[sflag:s5] =	ssyncset.done $0x0  }
0x96: {  	[sflag:s5] =	ssyncadd.s32 $0xFFFFFFFF  }
0x97: {  	s17 =	sld [smem:$0x10];
	(tm) =	ssettm $0x1  }
0x98: {  	s18 =	sld [smem:$0x3FFB];
	_ =	sdelay $0x3  }
0x99: {  	_ =	strace s18  }
0x9a: {  	s5 =	sld [smem:$0x3FFC];
	_ =	sdelay $0x3  }
0x9b: {  	_ =	strace s5  }
0x9c: {  	s5 =	sld [smem:$0x3FFD];
	_ =	sdelay $0x3  }
0x9d: {  	_ =	strace s5  }
0x9e: {  	_ =	strace $0x8FFFFFFF  }
0x9f: {  	s19 =	sld [smem:$0x3FDB];
	_ =	sdelay $0x1  }
0xa0: {  	s20 =	simm.s32 $_scs_section_size  }
0xa1: {  	s7 =	simm.s32 $_size__tile_overlayer_lowered;
	s8 =	simm.s32 $_tile_overlayer_lowered  }
0xa2: {  	s23 =	simm.s32 $0x1BFF;
	s22 =	sshll.u32 s8, $0x1;
	s5 =	sadd.s32 s20, s19  }
0xa3: {  	s9 =	simm.s32 $0x0;
	s21 =	sshll.u32 s7, $0x1;
	s7 =	sadd.s32 s22, s5  }
0xa4: {  	[timem:s9], [sflag:s23] =	dma.local [hbm:s7], s21  }
0xa5: {  	_ =	swait.ge [sflag:s23], s21  }
0xa6: {  	s6 =	ssub.s32 $0x0, s21;
	[sflag:s23] =	ssyncset.done $0x0  }
0xa7: {  	[sflag:s23] =	ssyncadd.s32 s6;
	_ =	sdelay $0x1  }
0xa8: {  	s24 =	simm.s32 $0x1B8B  }
0xa9: {  	_ =	swait.ge [sflag:s24], $0x1  }
0xaa: {  	[sflag:s24] =	ssyncset.done $0x0  }
0xab: {  	s25 =	simm.s32 $0x1B8E;
	[sflag:s24] =	ssyncadd.s32 $0xFFFFFFFF  }
0xac: {  	s26 =	simm.s32 $execute0_lowered;
	[smem:$0x3FD2] =	sst s25  }
0xad: {  	s6 =	sshll.u32 s26, $0x1;
	_ =	strace $0x80000046;
	[dreg:$0x1] =	wrdreg $0xFFFFFFFF  }
0xae: {  	s28 =	simm.s32 $_size_execute0_lowered;
	s5 =	sadd.s32 s5, s6;
	[dreg:$0x0] =	wrdreg $0x0  }
0xaf: {  	s6 =	sshll.u32 s28, $0x1;
	[dreg:$0x2] =	wrdreg s5  }
0xb0: {  	[dreg:$0x3] =	wrdreg s6  }
0xb1: {  	[dreg:$0x4] =	wrdreg $0xC0  }
0xb2: {  	_ =	task [dreg:s9], $0x5FFFF  }
0xb3: {  	[dreg:$0x1] =	wrdreg $0xFFFFFFFF  }
0xb4: {  	[dreg:$0x0] =	wrdreg $0x60  }
0xb5: {  	[dreg:$0x2] =	wrdreg s4  }
0xb6: {  	[dreg:$0x3] =	wrdreg s16  }
0xb7: {  	[dreg:$0x4] =	wrdreg s17  }
0xb8: {  	[dreg:$0x5] =	wrdreg $0x9  }
0xb9: {  	_ =	task.clear_ibuf [dreg:s9], $0x6FFFF;
	_ =	strace $0x90000046  }
0xba: {  	s29 =	simm.s32 $0x9;
	_ =	strace $0x80000048  }
0xbb: {  	_ =	swait.ge [sflag:s29], $0x1  }
0xbc: {  	[sflag:s29] =	ssyncadd.s32 $0xFFFFFFFF  }
0xbd: {  	_ =	strace $0x90000048  }
0xbe: {  	_ =	sfence  }
0xbf: {  	s30 =	sld [smem:$0x0];
	_ =	sdelay $0x2  }
0xc0: {  	s31 =	sshll.u32 s1, $0xD;
	s1 =	sshrl.u32 s1, $0x2  }
0xc1: {  	s3 =	sand.u32 $0x4000, s31;
	s1 =	sadd.s32 s1, s30  }
0xc2: {  	s0 =	sor.u32 s3, s0;
	s1 =	sshll.u32 s1, $0x11  }
0xc3: {  	s0 =	sor.u32 s1, s0  }
0xc4: {  	s0 =	sadd.s32 $0x8F2B, s0  }
0xc5: {  	[sflag:s0] =	ssyncadd.remote.s32 $0x1  }
0xc6: {  	_ =	sfence.sel $0xFFFF  }
0xc7: {  	[dreg:$0x0] =	wrdreg $0xFFFFFFFF;
	(pc) =	sbr.abs _section_cstart, $3  }
0xc8: {  	[dreg:$0x1] =	wrdreg $0xFFFFFFFF  }
0xc9: {  	_ =	task.clear_ibuf [dreg:s9], $0x2FFFF;
	_ =	strace $0x9FFFFFFF  }
0xca: {  	(tm) =	ssettm $0x7FFFFFFF  }
0xcb: {  	_ =	shalt  }
tec
execute0_lowered:
.L_overlay_start_1:
0x0: {  	(tag) =	ssettag $0x1  }
0x1: {  	s1 =	stileid.u32  }
0x2: {  	p0 =	sgt.u32 s1, $0x4  }
.Ltmp0:
0x3: {  	s5 =	rddreg [dreg:$0x0];
	(pc) =	sbr.rel @p0 .LBB2_5-.Ltmp0, $4  }
0x4: {  	s2 =	rddreg [dreg:$0x1]  }
0x5: {  	s4 =	rddreg [dreg:$0x2];
	s3 =	simm.s32 $0x0  }
0x6: {  	[smem:$0x7FF] =	sst s3  }
0x7: {  	s0 =	rddreg [dreg:$0x3];
	_ =	strace $0x80000047  }
0x8: {  	s6 =	srdreg.scid  }
0x9: {  	s7 =	sshll.u32 s1, $0x1;
	s6 =	sand.u32 $0x1, s6  }
0xa: {  	s7 =	sor.u32 s6, s7  }
0xb: {  	s8 =	simm.s32 $0x11;
	p0 =	seq.s32 s7, $0x0  }
0xc: {  	s8 =	simm.s32 @!p0 $0x1C;
	p0 =	seq.s32 s7, $0x1  }
0xd: {  	s8 =	simm.s32 @p0 $0x1B;
	p0 =	seq.s32 s7, $0x2  }
0xe: {  	s8 =	simm.s32 @p0 $0x2A;
	p0 =	seq.s32 s7, $0x3  }
0xf: {  	s8 =	simm.s32 @p0 $0x20;
	p0 =	seq.s32 s7, $0x4  }
0x10: {  	s9 =	sshll.u32 s1, $0xA;
	s8 =	simm.s32 @p0 $0x1;
	p0 =	seq.s32 s7, $0x5  }
0x11: {  	s11 =	simm.s32 $0x19700;
	s8 =	simm.s32 @p0 $0x3;
	p0 =	seq.s32 s7, $0x6  }
0x12: {  	s12 =	simm.s32 $0x1;
	s8 =	simm.s32 @p0 $0x3A;
	p0 =	seq.s32 s7, $0x7  }
0x13: {  	s13 =	simm.s32 $0x0;
	s8 =	simm.s32 @p0 $0x33;
	p0 =	seq.s32 s7, $0x8  }
0x14: {  	s9 =	sand.u32 $0x1000, s9;
	s6 =	ssub.s32 $0x2, s6;
	s8 =	simm.s32 @p0 $0x28  }
0x15: {  	s4 =	sadd.s32 s4, s9;
	s9 =	simm.s32 $0x2;
	s10 =	sshrl.u32 s8, $0x3  }
0x16: {  	s30 =	sshrl.u32 s6, $0x1;
	s8 =	sshll.u32 s8, $0x7;
	s10 =	smul.u32 $0xC3800, s10  }
0x17: {  	s6 =	ssub.s32 s6, s30;
	s7 =	sshll.u32 s7, $0x4;
	s8 =	sand.u32 $0x380, s8  }
0x18: {  	s6 =	smax.u32 s6, $0x1;
	s7 =	sand.u32 $0x70, s7;
	s8 =	sor.u32 s8, s10  }
0x19: {  	s4 =	sadd.s32 s7, s4;
	s7 =	simm.s32 $0x80;
	s31 =	sshrl.u32 s8, $0x3  }
0x1a: {  	s10 =	simm.s32 $0x18700;
	s8 =	simm.s32 $0x400;
	s5 =	sadd.s32 s5, s31  }
.LBB2_2:
0x1b: {  	s14 =	simm.s32 $0x0  }
0x1c: {  	[tilespmem:s14], [sflag:$0x2] =	stream.strided.gather [hbm4b:s5+s7], $0x18700, s8, s7, $0x38;
	[tilespmem:$0x1A700] =	vst v63  }
0x1d: {  	_ =	swait.ge [sflag:s9], $0x18700  }
0x1e: {  	[sflag:s9] =	ssyncset.done $0x0  }
0x1f: {  	[sflag:s9] =	ssyncadd.s32 $0xFFFE7900  }
0x20: {  	[tilespmem:s10], [sflag:$0x2] =	stream.linear.gather [hbm4b:s2+s14], $0x1000, $0x38;
	[tilespmem:$0x1A700] =	vst v63  }
0x21: {  	_ =	swait.ge [sflag:s9], $0x1000  }
0x22: {  	[sflag:s9] =	ssyncset.done $0x0  }
0x23: {  	s14 =	simm.s32 $0x0;
	[sflag:s9] =	ssyncadd.s32 $0xFFFFF000  }
0x24: {  	v0 =	vld [tilespmem:s14+$0x18700];
	_ =	sdelay $0x5  }
0x25: {  	v1 =	vld [tilespmem:s14+$0x18710];
	_ =	sdelay $0x1  }
0x26: {  	v0 =	vld.idx.msk [tilespmem:v0+s3+$0x0], $0xffff;
	_ =	sdelay $0x4  }
0x27: {  	v2 =	vld [tilespmem:s14+$0x18720];
	[tilespmem:s14+$0x19700] =	vst v0  }
0x28: {  	v0 =	vld.idx.msk [tilespmem:v1+s3+$0x0], $0xffff;
	_ =	sdelay $0x4  }
0x29: {  	[tilespmem:s14+$0x19710] =	vst v0;
	v0 =	vld [tilespmem:s14+$0x18730];
	_ =	sdelay $0x1  }
0x2a: {  	v1 =	vld.idx.msk [tilespmem:v2+s3+$0x0], $0xffff;
	_ =	sdelay $0x3  }
0x2b: {  	s16 =	simm.s32 $0x40;
	s15 =	simm.s32 $0x200  }
.LBB2_3:
0x2c: {  	p0 =	sne.s32 s15, $0x3F00;
	v2 =	vld [tilespmem:s16+$0x18700];
	[tilespmem:s14+$0x19720] =	vst v1  }
0x2d: {  	v0 =	vld.idx.msk [tilespmem:v0+s3+$0x0], $0xffff;
	_ =	sdelay $0x5  }
0x2e: {  	v1 =	vld [tilespmem:s16+$0x18710];
	[tilespmem:s14+$0x19730] =	vst v0;
	s14 =	smov.u32 s16  }
0x2f: {  	v0 =	vld.idx.msk [tilespmem:v2+s3+$0x0], $0xffff;
	_ =	sdelay $0x5  }
0x30: {  	[tilespmem:s14+$0x19700] =	vst v0;
	v2 =	vld [tilespmem:s14+$0x18720]  }
0x31: {  	v0 =	vld.idx.msk [tilespmem:v1+s3+$0x0], $0xffff;
	_ =	sdelay $0x5  }
0x32: {  	[tilespmem:s14+$0x19710] =	vst v0;
	v0 =	vld [tilespmem:s14+$0x18730]  }
0x33: {  	v1 =	vld.idx.msk [tilespmem:v2+s3+$0x0], $0xffff  }
.Ltmp1:
0x34: {  	(pc) =	sbr.rel @p0 .LBB2_3-.Ltmp1, $2  }
0x35: {  	_ =	sdelay $0x2  }
0x36: {  	s16 =	sshra.s32 s15, $0x2;
	s15 =	sadd.s32 $0x100, s15  }
0x37: {  	_ =	sdelay $0x1  }
0x38: {  	v2 =	vld [tilespmem:s16+$0x18700]  }
0x39: {  	[tilespmem:s14+$0x19720] =	vst v1  }
0x3a: {  	v0 =	vld.idx.msk [tilespmem:v0+s3+$0x0], $0xffff;
	_ =	sdelay $0x3  }
0x3b: {  	v1 =	vld [tilespmem:s16+$0x18710]  }
0x3c: {  	[tilespmem:s14+$0x19730] =	vst v0  }
0x3d: {  	v0 =	vld.idx.msk [tilespmem:v2+s3+$0x0], $0xffff;
	_ =	sdelay $0x3  }
0x3e: {  	v62 =	vld [tilespmem:s16+$0x18720]  }
0x3f: {  	[tilespmem:s16+$0x19700] =	vst v0  }
0x40: {  	v1 =	vld.idx.msk [tilespmem:v1+s3+$0x0], $0xffff;
	_ =	sdelay $0x3  }
0x41: {  	v63 =	vld [tilespmem:s16+$0x18730]  }
0x42: {  	[tilespmem:s16+$0x19710] =	vst v1  }
0x43: {  	v0 =	vld.idx.msk [tilespmem:v62+s3+$0x0], $0xffff;
	_ =	sdelay $0x4  }
0x44: {  	[tilespmem:s16+$0x19720] =	vst v0  }
0x45: {  	v0 =	vld.idx.msk [tilespmem:v63+s3+$0x0], $0xffff;
	_ =	sdelay $0x2  }
0x46: {  	s13 =	sadd.s32 $0x1, s13  }
0x47: {  	p0 =	sne.s32 s13, s6  }
.Ltmp2:
0x48: {  	[tilespmem:s16+$0x19730] =	vst v0;
	(pc) =	sbr.rel @p0 .LBB2_2-.Ltmp2, $4  }
0x49: {  	[hbm4b:s4+s7] =	stream.strided.scatter [tilespmem:s11], [sflag:$0x1], $0x1000, s8, s7, $0x38;
	[tilespmem:$0x1A700] =	vst v63  }
0x4a: {  	_ =	swait.ge [sflag:s12], $0x1000  }
0x4b: {  	[sflag:s12] =	ssyncset.done $0x0  }
0x4c: {  	[sflag:s12] =	ssyncadd.s32 $0xFFFFF000  }
.LBB2_5:
0x4d: {  	_ =	sfence.sel $0x180000  }
0x4e: {  	[bflag:$0x0] =	sbarrier.arrive $0xFFFF  }
0x4f: {  	p0 =	sne.s32 s1, $0x0;
	_ =	strace $0x90000047  }
0x50: {  	s0 =	sadd.s32 @!p0 $0x100000, s0;
	[bflag:$0x2] =	sbarrier.arrive $0xFFFF  }
0x51: {  	[sflag:s0] =	ssyncadd.tile.s32 @!p0 $0x1;
	_ =	shalt  }
.Lfunc_end2:
_tile_overlayer_lowered:
.L_overlay_start_2:
0x52: {  	(tag) =	ssettag $0x2  }
0x53: {  	s0 =	rddreg [dreg:$0x0];
	s2 =	stileid.u32  }
0x54: {  	s1 =	rddreg [dreg:$0x1];
	p0 =	sne.s32 s2, $0x0  }
0x55: {  	s3 =	rddreg [dreg:$0x2];
	[bflag:$0x3] =	sbarrier.arrive $0xFFFF;
	s2 =	simm.s32 @!p0 $0x1C02  }
0x56: {  	[timem:s3], [sflag:s2] =	dma.local @!p0 [hbm:s0], s1  }
0x57: {  	s0 =	simm.s32 @!p0 $0x2  }
0x58: {  	_ =	swait.ge @!p0 [sflag:s0], s1  }
0x59: {  	s1 =	ssub.s32 @!p0 $0x0, s1;
	[sflag:s0] =	ssyncset.done @!p0 $0x0  }
0x5a: {  	[sflag:s0] =	ssyncadd.s32 @!p0 s1  }
0x5b: {  	[bflag:$0x3] =	sbarrier.arrive $0xFFFF  }
0x5c: {  	_ =	shalt  }

// kernel: kernel.7.cloned.1.call-start
scs
__scs_entry_jumppad:
0x0: {  	(pc) =	sbr.rel $0x88, $3  }
0x1: {  	(tag) =	ssettag $0x0;
	lr =	simm.s32 $0x1  }
0x2: {  	[smem:$0x3F9F] =	sst lr;
	_ =	strace $0xD0000000  }
0x3: {  	_ = 	snop  }
0x4: {  	_ = 	snop  }
0x5: {  	_ = 	snop  }
0x6: {  	_ = 	snop  }
0x7: {  	_ = 	snop  }
__scs_overlays_trampoline_lowered:
0x8: {  	[smem:$0x3FAE] =	sst s0  }
0x9: {  	[smem:$0x3FAF] =	sst s1  }
0xa: {  	[smem:$0x3FB0] =	sst s2  }
0xb: {  	[smem:$0x3FB1] =	sst s3  }
0xc: {  	[smem:$0x3FB2] =	sst s4  }
0xd: {  	[smem:$0x3FB3] =	sst s5  }
0xe: {  	[smem:$0x3FB4] =	sst s6  }
0xf: {  	[smem:$0x3FB5] =	sst s7  }
0x10: {  	[smem:$0x3FB6] =	sst s8  }
0x11: {  	[smem:$0x3FB7] =	sst s9;
	s0 =	simm.s32 @!p0 $0x0  }
0x12: {  	s1 =	sld [smem:$0x3F9D];
	s0 =	simm.s32 @p0 $0x1  }
0x13: {  	[smem:$0x3FB8] =	sst s0;
	s0 =	simm.s32 @!p1 $0x0  }
0x14: {  	s2 =	sld [smem:$0x3F9C];
	s0 =	simm.s32 @p1 $0x1  }
0x15: {  	[smem:$0x3FB9] =	sst s0;
	s0 =	simm.s32 @!p2 $0x0  }
0x16: {  	s3 =	sld [smem:$0x3FDB];
	s0 =	simm.s32 @p2 $0x1  }
0x17: {  	s4 =	simm.s32 $0x1BF5;
	[smem:$0x3FBB] =	sst s0  }
0x18: {  	s0 =	sld [smem:$0x3F9E];
	_ =	swait.ge [sflag:s4], $0x0  }
0x19: {  	s7 =	sld [smem:$0x3F9F]  }
0x1a: {  	s8 =	sadd.s32 $0xFFFFE003, lr  }
0x1b: {  	s9 =	sadd.s32 $0xFFFFFEF7, lr;
	s5 =	simm.s32 $0xFFFFFFFF;
	p2 =	slt.u32 s8, $0xFFFFF086  }
0x1c: {  	p1 =	slt.u32 s9, $0xF7A;
	s5 =	simm.s32 @!p2 $0x0  }
0x1d: {  	s5 =	simm.s32 @p1 $0x1;
	p0 =	seq.s32 s7, s2  }
0x1e: {  	s7 =	smul.u32 @!p0 $0xF7A, s2;
	p2 =	seq.s32 @!p0 s5, $0x0  }
0x1f: {  	s9 =	smul.u32 $0xF7A, s1;
	s8 =	simm.s32 @!p0 $0x1BF5;
	p2 =	por !p2, p0  }
0x20: {  	[sflag:s8] =	ssyncset.s32 @!p0 $0xFFFFF086;
	s6 =	sadd.s32 @!p0 s3, s7;
	s7 =	simm.s32 @!p0 $0x108  }
0x21: {  	s3 =	sadd.s32 s3, s9;
	s6 =	sadd.s32 @!p0 $0x88, s6;
	s7 =	simm.s32 @p2 $0x1082  }
0x22: {  	[simem:s7], [sflag:s8] =	dma.local @!p0 [hbm:s6], $0xF7A  }
0x23: {  	s9 =	sor.u32 $0xD0000000, s2;
	s6 =	simm.s32 $0x108;
	_ =	swait.ge @!p0 [sflag:s8], $0x0  }
0x24: {  	s3 =	sadd.s32 $0x88, s3;
	s6 =	simm.s32 @!p1 $0x1082;
	[sflag:s4] =	ssyncset.s32 $0xFFFFF086  }
0x25: {  	[simem:s6], [sflag:s4] =	dma.local [hbm:s3], $0xF7A  }
0x26: {  	[smem:$0x3F9F] =	sst s1;
	(tag) =	ssettag s2;
	_ =	strace s9  }
0x27: {  	s1 =	sld [smem:$0x3FAF]  }
0x28: {  	s2 =	sld [smem:$0x3FB0]  }
0x29: {  	s4 =	sld [smem:$0x3FB2]  }
0x2a: {  	p0 =	seq.s32 s5, $0x0;
	s5 =	sld [smem:$0x3FB3]  }
0x2b: {  	s6 =	sld [smem:$0x3FB4]  }
0x2c: {  	s7 =	sld [smem:$0x3FB5]  }
0x2d: {  	s3 =	simm.s32 $0x108;
	s8 =	sld [smem:$0x3FB6]  }
0x2e: {  	s3 =	simm.s32 @!p0 $0x1082;
	s9 =	sld [smem:$0x3FB7]  }
0x2f: {  	lr =	sadd.s32 s0, s3;
	s0 =	sld [smem:$0x3FAE]  }
0x30: {  	s3 =	sld [smem:$0x3FB1]  }
0x31: {  	[smem:$0x3FBA] =	sst s10  }
0x32: {  	s10 =	sld [smem:$0x3FB8];
	_ =	sdelay $0x3  }
0x33: {  	p0 =	seq.s32 s10, $0x1;
	s10 =	sld [smem:$0x3FBA];
	_ =	sdelay $0x3  }
0x34: {  	[smem:$0x3FBA] =	sst s10  }
0x35: {  	s10 =	sld [smem:$0x3FB9];
	_ =	sdelay $0x3  }
0x36: {  	p1 =	seq.s32 s10, $0x1;
	s10 =	sld [smem:$0x3FBA];
	_ =	sdelay $0x3  }
0x37: {  	[smem:$0x3FBA] =	sst s10  }
0x38: {  	s10 =	sld [smem:$0x3FBB]  }
0x39: {  	_ = 	snop;
	(pc) =	sbr.ind lr, $3  }
0x3a: {  	_ = 	snop  }
0x3b: {  	_ = 	snop  }
0x3c: {  	p2 =	seq.s32 s10, $0x1;
	s10 =	sld [smem:$0x3FBA]  }
0x3d: {  	_ =	shalt  }
0x3e: {  	_ =	shalt  }
0x3f: {  	_ =	shalt  }
0x40: {  	_ =	shalt  }
0x41: {  	_ =	shalt  }
0x42: {  	_ =	shalt  }
0x43: {  	_ =	shalt  }
0x44: {  	_ =	shalt  }
0x45: {  	_ =	shalt  }
0x46: {  	_ =	shalt  }
0x47: {  	_ =	shalt  }
0x48: {  	_ =	shalt  }
0x49: {  	_ =	shalt  }
0x4a: {  	_ =	shalt  }
0x4b: {  	_ =	shalt  }
0x4c: {  	_ =	shalt  }
0x4d: {  	_ =	shalt  }
0x4e: {  	_ =	shalt  }
0x4f: {  	_ =	shalt  }
0x50: {  	_ =	shalt  }
0x51: {  	_ =	shalt  }
0x52: {  	_ =	shalt  }
0x53: {  	_ =	shalt  }
0x54: {  	_ =	shalt  }
0x55: {  	_ =	shalt  }
0x56: {  	_ =	shalt  }
0x57: {  	_ =	shalt  }
0x58: {  	_ =	shalt  }
0x59: {  	_ =	shalt  }
0x5a: {  	_ =	shalt  }
0x5b: {  	_ =	shalt  }
0x5c: {  	_ =	shalt  }
0x5d: {  	_ =	shalt  }
0x5e: {  	_ =	shalt  }
0x5f: {  	_ =	shalt  }
0x60: {  	_ =	shalt  }
0x61: {  	_ =	shalt  }
0x62: {  	_ =	shalt  }
0x63: {  	_ =	shalt  }
0x64: {  	_ =	shalt  }
0x65: {  	_ =	shalt  }
0x66: {  	_ =	shalt  }
0x67: {  	_ =	shalt  }
0x68: {  	_ =	shalt  }
0x69: {  	_ =	shalt  }
0x6a: {  	_ =	shalt  }
0x6b: {  	_ =	shalt  }
0x6c: {  	_ =	shalt  }
0x6d: {  	_ =	shalt  }
0x6e: {  	_ =	shalt  }
0x6f: {  	_ =	shalt  }
0x70: {  	_ =	shalt  }
0x71: {  	_ =	shalt  }
0x72: {  	_ =	shalt  }
0x73: {  	_ =	shalt  }
0x74: {  	_ =	shalt  }
0x75: {  	_ =	shalt  }
0x76: {  	_ =	shalt  }
0x77: {  	_ =	shalt  }
0x78: {  	_ =	shalt  }
0x79: {  	_ =	shalt  }
0x7a: {  	_ =	shalt  }
0x7b: {  	_ =	shalt  }
0x7c: {  	_ =	shalt  }
0x7d: {  	_ =	shalt  }
0x7e: {  	_ =	shalt  }
0x7f: {  	_ =	shalt  }
0x80: {  	_ =	shalt  }
0x81: {  	_ =	shalt  }
0x82: {  	_ =	shalt  }
0x83: {  	_ =	shalt  }
0x84: {  	_ =	shalt  }
0x85: {  	_ =	shalt  }
0x86: {  	_ =	shalt  }
0x87: {  	_ =	shalt  }
.Lfunc_end0:
.L_simem_size_0:
called_computation.1_lowered:
.L_overlay_start_0:
0x88: {  	s2 =	sld [smem:$0x3FD9]  }
0x89: {  	s3 =	sld [smem:$0x3FFE];
	_ =	sdelay $0x1  }
0x8a: {  	s1 =	srdreg.scid  }
0x8b: {  	s0 =	sand.u32 $0x1, s1  }
0x8c: {  	s15 =	sshll.u32 s0, $0xA;
	s2 =	sadd.s32 s3, s2  }
0x8d: {  	s2 =	sadd.s32 s2, s15  }
0x8e: {  	[smem:$0x3FC6] =	sst s2  }
0x8f: {  	_ = 	snop  }
0x90: {  	s2 =	sld [smem:$0x3FD0];
	_ =	sdelay $0x2  }
0x91: {  	s4 =	simm.s32 $0xA;
	s5 =	simm.s32 $0x10;
	s16 =	sld [smem:$0x3FC8]  }
0x92: {  	[smem:s5], [sflag:s4] =	dma.local [hbm:s2], $0x1  }
0x93: {  	_ =	swait.eq [sflag:s4], $0x1  }
0x94: {  	[sflag:s4] =	ssyncset.done $0x0  }
0x95: {  	s17 =	sld [smem:$0x10];
	[sflag:s4] =	ssyncadd.s32 $0xFFFFFFFF  }
0x96: {  	s18 =	sld [smem:$0x11];
	(tm) =	ssettm $0x1  }
0x97: {  	s19 =	sld [smem:$0x3FFB];
	_ =	sdelay $0x3  }
0x98: {  	_ =	strace s19  }
0x99: {  	s5 =	sld [smem:$0x3FFC];
	_ =	sdelay $0x3  }
0x9a: {  	_ =	strace s5  }
0x9b: {  	s5 =	sld [smem:$0x3FFD];
	_ =	sdelay $0x3  }
0x9c: {  	_ =	strace s5  }
0x9d: {  	_ =	strace $0x8FFFFFFF  }
0x9e: {  	s20 =	sld [smem:$0x3FDB];
	_ =	sdelay $0x1  }
0x9f: {  	s6 =	simm.s32 $_scs_section_size  }
0xa0: {  	s7 =	simm.s32 $_size__tile_overlayer_lowered;
	s8 =	simm.s32 $_tile_overlayer_lowered  }
0xa1: {  	s23 =	simm.s32 $0x1BFF;
	s22 =	sshll.u32 s8, $0x1;
	s5 =	sadd.s32 s6, s20  }
0xa2: {  	s9 =	simm.s32 $0x0;
	s21 =	sshll.u32 s7, $0x1;
	s7 =	sadd.s32 s22, s5  }
0xa3: {  	[timem:s9], [sflag:s23] =	dma.local [hbm:s7], s21  }
0xa4: {  	_ =	swait.ge [sflag:s23], s21  }
0xa5: {  	s6 =	ssub.s32 $0x0, s21;
	[sflag:s23] =	ssyncset.done $0x0  }
0xa6: {  	[sflag:s23] =	ssyncadd.s32 s6;
	_ =	sdelay $0x1  }
0xa7: {  	s24 =	simm.s32 $0x1B8B  }
0xa8: {  	_ =	swait.ge [sflag:s24], $0x1  }
0xa9: {  	[sflag:s24] =	ssyncset.done $0x0  }
0xaa: {  	s25 =	simm.s32 $0x1B8E;
	[sflag:s24] =	ssyncadd.s32 $0xFFFFFFFF  }
0xab: {  	s26 =	simm.s32 $execute0_lowered;
	[smem:$0x3FD2] =	sst s25  }
0xac: {  	s6 =	sshll.u32 s26, $0x1;
	_ =	strace $0x80000049;
	[dreg:$0x1] =	wrdreg $0xFFFFFFFF  }
0xad: {  	s28 =	simm.s32 $_size_execute0_lowered;
	s5 =	sadd.s32 s5, s6;
	[dreg:$0x0] =	wrdreg $0x0  }
0xae: {  	s6 =	sshll.u32 s28, $0x1;
	[dreg:$0x2] =	wrdreg s5  }
0xaf: {  	[dreg:$0x3] =	wrdreg s6  }
0xb0: {  	[dreg:$0x4] =	wrdreg $0xC0  }
0xb1: {  	_ =	task [dreg:s9], $0x5FFFF  }
0xb2: {  	[dreg:$0x1] =	wrdreg $0xFFFFFFFF  }
0xb3: {  	[dreg:$0x0] =	wrdreg $0x60  }
0xb4: {  	[dreg:$0x2] =	wrdreg s16  }
0xb5: {  	[dreg:$0x3] =	wrdreg s17  }
0xb6: {  	[dreg:$0x4] =	wrdreg s18  }
0xb7: {  	[dreg:$0x5] =	wrdreg $0x9  }
0xb8: {  	_ =	task.clear_ibuf [dreg:s9], $0x6FFFF;
	_ =	strace $0x90000049  }
0xb9: {  	s29 =	simm.s32 $0x9;
	_ =	strace $0x8000004B  }
0xba: {  	_ =	swait.ge [sflag:s29], $0x1  }
0xbb: {  	[sflag:s29] =	ssyncadd.s32 $0xFFFFFFFF  }
0xbc: {  	_ =	strace $0x9000004B  }
0xbd: {  	_ =	sfence  }
0xbe: {  	s30 =	sld [smem:$0x0];
	_ =	sdelay $0x2  }
0xbf: {  	s31 =	sshll.u32 s1, $0xD;
	s1 =	sshrl.u32 s1, $0x2  }
0xc0: {  	s3 =	sand.u32 $0x4000, s31;
	s1 =	sadd.s32 s1, s30  }
0xc1: {  	s0 =	sor.u32 s3, s0;
	s1 =	sshll.u32 s1, $0x11  }
0xc2: {  	s0 =	sor.u32 s1, s0  }
0xc3: {  	s0 =	sadd.s32 $0x8F2B, s0  }
0xc4: {  	[sflag:s0] =	ssyncadd.remote.s32 $0x1  }
0xc5: {  	_ =	sfence.sel $0xFFFF  }
0xc6: {  	[dreg:$0x0] =	wrdreg $0xFFFFFFFF;
	(pc) =	sbr.abs _section_cstart, $3  }
0xc7: {  	[dreg:$0x1] =	wrdreg $0xFFFFFFFF  }
0xc8: {  	_ =	task.clear_ibuf [dreg:s9], $0x2FFFF;
	_ =	strace $0x9FFFFFFF  }
0xc9: {  	(tm) =	ssettm $0x7FFFFFFF  }
tec
execute0_lowered:
.L_overlay_start_1:
0x0: {  	(tag) =	ssettag $0x1  }
0x1: {  	s2 =	srdreg.scid;
	s3 =	stileid.u32  }
0x2: {  	s2 =	sand.u32 $0x1, s2;
	s4 =	sshll.u32 s3, $0x1  }
0x3: {  	s5 =	sor.u32 s2, s4  }
0x4: {  	p0 =	sgt.u32 s5, $0x18  }
.Ltmp0:
0x5: {  	_ = 	snop;
	(pc) =	sbr.rel @p0 .LBB2_19-.Ltmp0, $4  }
0x6: {  	_ = 	snop  }
0x7: {  	s0 =	rddreg [dreg:$0x0];
	s3 =	simm.s32 $0x0  }
0x8: {  	[smem:$0x7FF] =	sst s3  }
0x9: {  	s1 =	rddreg [dreg:$0x2];
	_ =	strace $0x8000004A  }
0xa: {  	p0 =	seq.s32 s5, $0x0  }
0xb: {  	s4 =	simm.s32 $0x2;
	s6 =	stileid.u32;
	s7 =	sshll.u32 s5, $0x7  }
0xc: {  	s9 =	rddreg [dreg:$0x1];
	s2 =	ssub.s32 $0x2, s2;
	s28 =	simm.s32 $0x1  }
0xd: {  	s29 =	simm.s32 $0x1A700;
	s30 =	simm.s32 $0x1C700;
	s31 =	simm.s32 $0x3  }
0xe: {  	s4 =	simm.s32 @!p0 $0x17;
	p0 =	seq.s32 s5, $0x1;
	s6 =	sshrl.u32 s6, $0x2  }
0xf: {  	s7 =	sand.u32 $0x380, s7;
	s12 =	sadd.s32 $0x200, s9;
	s14 =	sadd.s32 $0x400, s9  }
0x10: {  	s10 =	sadd.s32 $0x600, s9;
	s18 =	sadd.s32 $0x800, s9;
	[dreg:$0x4] =	wrdreg s12  }
0x11: {  	s25 =	sshrl.u32 s2, $0x1;
	s4 =	simm.s32 @p0 $0x20;
	[dreg:$0x5] =	wrdreg s14  }
0x12: {  	p0 =	seq.s32 s5, $0x2;
	s6 =	smul.u32 $0x50000, s6;
	[dreg:$0x7] =	wrdreg s10  }
0x13: {  	[dreg:$0x9] =	wrdreg s18;
	s4 =	simm.s32 @p0 $0xF;
	p0 =	seq.s32 s5, $0x3  }
0x14: {  	s12 =	sadd.s32 $0xA00, s9;
	s4 =	simm.s32 @p0 $0xA;
	p0 =	seq.s32 s5, $0x4  }
0x15: {  	s14 =	sadd.s32 $0xC00, s9;
	s6 =	sor.u32 s6, s7;
	s4 =	simm.s32 @p0 $0x30  }
0x16: {  	p0 =	seq.s32 s5, $0x5;
	s13 =	sshrl.u32 s6, $0x3;
	s15 =	sadd.s32 $0x14000, s6  }
0x17: {  	s16 =	sadd.s32 $0x1E000, s6;
	s19 =	sadd.s32 $0x28000, s6;
	s20 =	sadd.s32 $0x32000, s6  }
0x18: {  	s22 =	sadd.s32 $0x3C000, s6;
	s4 =	simm.s32 @p0 $0x19;
	p0 =	seq.s32 s5, $0x6  }
0x19: {  	s6 =	sadd.s32 $0x46000, s6;
	s4 =	simm.s32 @p0 $0x1C;
	p0 =	seq.s32 s5, $0x7  }
0x1a: {  	s7 =	sshrl.u32 s15, $0x3;
	s4 =	simm.s32 @p0 $0x0;
	p0 =	seq.s32 s5, $0x8  }
0x1b: {  	s17 =	sshrl.u32 s16, $0x3;
	s4 =	simm.s32 @p0 $0x31;
	p0 =	seq.s32 s5, $0x9  }
0x1c: {  	s21 =	sshrl.u32 s20, $0x3;
	s4 =	simm.s32 @p0 $0x4;
	p0 =	seq.s32 s5, $0xA  }
0x1d: {  	s23 =	sshrl.u32 s22, $0x3;
	s4 =	simm.s32 @p0 $0x3C;
	p0 =	seq.s32 s5, $0xB  }
0x1e: {  	s16 =	sadd.s32 $0xE00, s9;
	s4 =	simm.s32 @p0 $0x2A;
	p0 =	seq.s32 s5, $0xC  }
0x1f: {  	s6 =	sshrl.u32 s6, $0x3;
	s4 =	simm.s32 @p0 $0x15;
	p0 =	seq.s32 s5, $0xD  }
0x20: {  	s22 =	simm.s32 $0x80;
	s4 =	simm.s32 @p0 $0xB;
	p0 =	seq.s32 s5, $0xE  }
0x21: {  	s7 =	sadd.s32 s1, s7;
	s4 =	simm.s32 @p0 $0x14;
	p0 =	seq.s32 s5, $0xF  }
0x22: {  	s11 =	sadd.s32 s1, s17;
	s4 =	simm.s32 @p0 $0x39;
	p0 =	seq.s32 s5, $0x10  }
0x23: {  	s15 =	sadd.s32 s1, s21;
	s4 =	simm.s32 @p0 $0x11;
	p0 =	seq.s32 s5, $0x11  }
0x24: {  	s17 =	sadd.s32 s1, s23;
	s4 =	simm.s32 @p0 $0xC;
	p0 =	seq.s32 s5, $0x12  }
0x25: {  	s18 =	sadd.s32 s1, s6;
	s4 =	simm.s32 @p0 $0x13;
	p0 =	seq.s32 s5, $0x13  }
0x26: {  	s23 =	simm.s32 $0x400;
	s4 =	simm.s32 @p0 $0x16;
	p0 =	seq.s32 s5, $0x14  }
0x27: {  	[dreg:$0x8] =	wrdreg s7;
	s4 =	simm.s32 @p0 $0x12;
	p0 =	seq.s32 s5, $0x15  }
0x28: {  	s7 =	sshrl.u32 s19, $0x3;
	s4 =	simm.s32 @p0 $0x10;
	p0 =	seq.s32 s5, $0x16  }
0x29: {  	v0 =	vimm.s32 $0x54321098;
	v1 =	vimm.s32 $0x76543210;
	s19 =	simm.s32 $0x2;
	s4 =	simm.s32 @p0 $0x1B;
	p0 =	seq.s32 s5, $0x17  }
0x2a: {  	v0 =	vunpack.c.l.s4.s8 v0;
	v1 =	vunpack.c.l.s4.s8 v1;
	s5 =	sadd.s32 s1, s13;
	s13 =	sadd.s32 s1, s7;
	s4 =	simm.s32 @p0 $0x5  }
0x2b: {  	s1 =	ssub.s32 s2, s25;
	s25 =	simm.s32 $0x8000;
	s24 =	sshrl.u32 s4, $0x3  }
0x2c: {  	v0 =	vunpack.c.0.s8.s32 v0;
	v1 =	vunpack.c.0.s8.s32 v1;
	s2 =	simm.s32 $0x5;
	s4 =	sshll.u32 s4, $0x7;
	s7 =	smul.u32 $0xC3800, s24  }
0x2d: {  	s8 =	sadd.s32 $0x1400, s5;
	s21 =	smax.u32 s1, $0x1;
	s4 =	sand.u32 $0x380, s4  }
0x2e: {  	v1 =	vcombine.low v1, v0;
	s1 =	simm.s32 $0x1DB00;
	[dreg:$0x6] =	wrdreg s8;
	s4 =	sor.u32 s4, s7  }
0x2f: {  	vm0 =	vcmask $0x2700;
	v0 =	vimm.s32 $0x1;
	s24 =	simm.s32 $0x1000;
	s26 =	sshrl.u32 s4, $0x3;
	s4 =	simm.s32 $0x0  }
0x30: {  	v2 =	vimm.s32 $0x0;
	v0 =	vsel vm0, $0x0, v0;
	v1 =	vand.u32 $0xF, v1;
	s20 =	sadd.s32 s0, s26;
	s26 =	simm.s32 $0x18700;
	s0 =	simm.s32 $0x4  }
.LBB2_2:
0x31: {  	s6 =	simm.s32 $0x0  }
0x32: {  	[tilespmem:s6], [sflag:$0x1] =	stream.strided.gather [hbm4b:s20+s22], $0x18700, s23, s22, $0x38;
	[tilespmem:$0x1EF00] =	vst v63  }
0x33: {  	v3 =	vshll.u32 v1, $0x9;
	v4 =	vshll.u32 v0, $0x3;
	s7 =	rddreg [dreg:$0x1]  }
0x34: {  	v5 =	vshll.u32 v1, $0x7;
	v3 =	vand.u32 $0xFFFFF000, v3;
	v4 =	vand.u32 $0xFFFFFC00, v4;
	[tilespmem:s26], [sflag:$0x2] =	stream.strided.gather [hbm4b:s7+s24], $0x2000, s25, s24, $0x38;
	[tilespmem:$0x1EF00] =	vst v63  }
0x35: {  	v3 =	vadd.s32 v3, v4;
	v4 =	vand.u32 $0x380, v5;
	_ =	swait.ge [sflag:s28], $0x18700  }
0x36: {  	v5 =	vand.u32 $0x7F, v0;
	v3 =	vor.u32 v4, v3;
	[sflag:s28] =	ssyncset.done $0x0  }
0x37: {  	v3 =	vor.u32 v5, v3;
	s10 =	rddreg [dreg:$0x4];
	[sflag:s28] =	ssyncadd.s32 $0xFFFE7900  }
0x38: {  	[tilespmem:s29], [sflag:$0x3] =	stream.strided.gather [hbm4b:s10+s24], $0x2000, s25, s24, $0x38;
	[tilespmem:$0x1EF00] =	vst v63  }
0x39: {  	_ =	swait.ge [sflag:s19], $0x2000  }
0x3a: {  	[sflag:s19] =	ssyncset.done $0x0  }
0x3b: {  	[sflag:s19] =	ssyncadd.s32 $0xFFFFE000  }
0x3c: {  	v4 =	vadd.s32 $0x6, v1;
	v9 =	vld.idx.msk [tilespmem:v3+s26+$0x0], $0xffff  }
0x3d: {  	vm0 =	vgt.s32 v4, $0x9  }
0x3e: {  	v6 =	vsel vm0, $0x1, v2  }
0x3f: {  	v5 =	vsel vm0, $0xFFFFFFF6, v2;
	v6 =	vadd.s32 v6, v0  }
0x40: {  	v8 =	vadd.s32 v4, v5;
	v7 =	vadd.s32 $0x1, v6  }
0x41: {  	v10 =	vshll.u32 v8, $0x9;
	v11 =	vshll.u32 v7, $0x3  }
0x42: {  	v12 =	vshll.u32 v8, $0x7;
	v10 =	vand.u32 $0xFFFFF000, v10;
	v11 =	vand.u32 $0xFFFFFC00, v11  }
0x43: {  	v10 =	vadd.s32 v10, v11;
	v11 =	vand.u32 $0x380, v12  }
0x44: {  	v63 =	vand.u32 $0x7F, v7;
	v10 =	vor.u32 v11, v10;
	v9 =	vld.idx.msk [tilespmem:v9+s3+$0x0], $0xffff  }
0x45: {  	v10 =	vor.u32 v63, v10  }
0x46: {  	s8 =	simm.s32 $0x40;
	s9 =	simm.s32 $0xC0;
	s7 =	simm.s32 $0x80  }
.LBB2_3:
0x47: {  	p0 =	sne.s32 s9, $0x4FC0  }
0x48: {  	s10 =	sshra.s32 s6, $0x2;
	s6 =	smov.u32 s8;
	s8 =	smov.u32 s7  }
0x49: {  	s7 =	smov.u32 s9;
	[tilespmem:s10+$0x1C700] =	vst v9  }
0x4a: {  	v9 =	vld.idx.msk [tilespmem:v10+s26+$0x0], $0xffff  }
0x4b: {  	v8 =	vadd.s32 $0x6, v8  }
0x4c: {  	vm0 =	vgt.s32 v8, $0x9  }
0x4d: {  	v11 =	vsel vm0, $0xFFFFFFF6, v2;
	v10 =	vsel vm0, $0x1, v2  }
0x4e: {  	v8 =	vadd.s32 v8, v11;
	v7 =	vadd.s32 v10, v7  }
0x4f: {  	v10 =	vshll.u32 v8, $0x9;
	v7 =	vadd.s32 $0x1, v7  }
0x50: {  	v10 =	vand.u32 $0xFFFFF000, v10;
	v11 =	vand.u32 $0x7F, v7;
	v12 =	vshll.u32 v7, $0x3  }
.Ltmp1:
0x51: {  	v13 =	vshll.u32 v8, $0x7;
	v12 =	vand.u32 $0xFFFFFC00, v12;
	(pc) =	sbr.rel @p0 .LBB2_3-.Ltmp1, $4  }
0x52: {  	v10 =	vadd.s32 v10, v12;
	v12 =	vand.u32 $0x380, v13;
	v9 =	vld.idx.msk [tilespmem:v9+s3+$0x0], $0xffff  }
0x53: {  	v10 =	vor.u32 v12, v10  }
0x54: {  	v10 =	vor.u32 v11, v10  }
0x55: {  	s9 =	sadd.s32 $0x40, s9  }
0x56: {  	_ =	sdelay $0x1  }
0x57: {  	s6 =	sshra.s32 s6, $0x2  }
0x58: {  	[tilespmem:s6+$0x1C700] =	vst v9  }
0x59: {  	v8 =	vadd.s32 $0x6, v8;
	v9 =	vld.idx.msk [tilespmem:v10+s26+$0x0], $0xffff  }
0x5a: {  	vm0 =	vgt.s32 v8, $0x9  }
0x5b: {  	v10 =	vsel vm0, $0x1, v2  }
0x5c: {  	v11 =	vsel vm0, $0xFFFFFFF6, v2;
	v7 =	vadd.s32 v10, v7  }
0x5d: {  	v8 =	vadd.s32 v8, v11;
	v7 =	vadd.s32 $0x1, v7  }
0x5e: {  	v10 =	vshll.u32 v8, $0x9;
	v11 =	vshll.u32 v7, $0x3  }
0x5f: {  	v8 =	vshll.u32 v8, $0x7;
	v10 =	vand.u32 $0xFFFFF000, v10;
	v11 =	vand.u32 $0xFFFFFC00, v11  }
0x60: {  	v8 =	vand.u32 $0x380, v8;
	v10 =	vadd.s32 v10, v11  }
0x61: {  	v7 =	vand.u32 $0x7F, v7;
	v8 =	vor.u32 v8, v10;
	v9 =	vld.idx.msk [tilespmem:v9+s3+$0x0], $0xffff  }
0x62: {  	v7 =	vor.u32 v7, v8;
	_ =	sdelay $0x2  }
0x63: {  	s8 =	sshra.s32 s8, $0x2  }
0x64: {  	[tilespmem:s8+$0x1C700] =	vst v9  }
0x65: {  	v7 =	vld.idx.msk [tilespmem:v7+s26+$0x0], $0xffff;
	_ =	sdelay $0x7  }
0x66: {  	v7 =	vld.idx.msk [tilespmem:v7+s3+$0x0], $0xffff;
	_ =	sdelay $0x3  }
0x67: {  	s9 =	sshra.s32 s7, $0x2  }
0x68: {  	[tilespmem:s9+$0x1C700] =	vst v7  }
0x69: {  	[hbm4b:s5+s22] =	stream.strided.scatter [tilespmem:s30], [sflag:$0x4], $0x1400, s23, s22, $0x38;
	[tilespmem:$0x1EF00] =	vst v63  }
0x6a: {  	s10 =	rddreg [dreg:$0x5]  }
0x6b: {  	[tilespmem:s26], [sflag:$0x2] =	stream.strided.gather [hbm4b:s10+s24], $0x2000, s25, s24, $0x38;
	[tilespmem:$0x1EF00] =	vst v63  }
0x6c: {  	_ =	swait.ge [sflag:s31], $0x2000  }
0x6d: {  	[sflag:s31] =	ssyncset.done $0x0  }
0x6e: {  	[sflag:s31] =	ssyncadd.s32 $0xFFFFE000  }
0x6f: {  	v9 =	vld.idx.msk [tilespmem:v3+s29+$0x0], $0xffff;
	_ =	sdelay $0x3  }
0x70: {  	v8 =	vadd.s32 v4, v5;
	v7 =	vadd.s32 $0x1, v6  }
0x71: {  	v10 =	vshll.u32 v8, $0x9;
	v11 =	vshll.u32 v7, $0x3  }
0x72: {  	v12 =	vshll.u32 v8, $0x7;
	v10 =	vand.u32 $0xFFFFF000, v10;
	v11 =	vand.u32 $0xFFFFFC00, v11  }
0x73: {  	v10 =	vadd.s32 v10, v11;
	v11 =	vand.u32 $0x380, v12  }
0x74: {  	v63 =	vand.u32 $0x7F, v7;
	v10 =	vor.u32 v11, v10;
	v9 =	vld.idx.msk [tilespmem:v9+s3+$0x0], $0xffff  }
0x75: {  	s7 =	simm.s32 $0x40;
	v10 =	vor.u32 v63, v10  }
0x76: {  	s6 =	simm.s32 $0x80;
	s8 =	simm.s32 $0x0;
	s9 =	simm.s32 $0xC0  }
.LBB2_5:
0x77: {  	p0 =	sne.s32 s9, $0x4FC0  }
0x78: {  	s10 =	sshra.s32 s8, $0x2;
	s8 =	smov.u32 s7;
	s7 =	smov.u32 s6  }
0x79: {  	s6 =	smov.u32 s9;
	[tilespmem:s10+$0x1DB00] =	vst v9  }
0x7a: {  	v9 =	vld.idx.msk [tilespmem:v10+s29+$0x0], $0xffff  }
0x7b: {  	v8 =	vadd.s32 $0x6, v8  }
0x7c: {  	vm0 =	vgt.s32 v8, $0x9  }
0x7d: {  	v11 =	vsel vm0, $0xFFFFFFF6, v2;
	v10 =	vsel vm0, $0x1, v2  }
0x7e: {  	v8 =	vadd.s32 v8, v11;
	v7 =	vadd.s32 v10, v7  }
0x7f: {  	v10 =	vshll.u32 v8, $0x9;
	v7 =	vadd.s32 $0x1, v7  }
0x80: {  	v10 =	vand.u32 $0xFFFFF000, v10;
	v11 =	vand.u32 $0x7F, v7;
	v12 =	vshll.u32 v7, $0x3  }
.Ltmp2:
0x81: {  	v13 =	vshll.u32 v8, $0x7;
	v12 =	vand.u32 $0xFFFFFC00, v12;
	(pc) =	sbr.rel @p0 .LBB2_5-.Ltmp2, $4  }
0x82: {  	v10 =	vadd.s32 v10, v12;
	v12 =	vand.u32 $0x380, v13;
	v9 =	vld.idx.msk [tilespmem:v9+s3+$0x0], $0xffff  }
0x83: {  	v10 =	vor.u32 v12, v10  }
0x84: {  	v10 =	vor.u32 v11, v10  }
0x85: {  	s9 =	sadd.s32 $0x40, s9  }
0x86: {  	_ =	sdelay $0x1  }
0x87: {  	s8 =	sshra.s32 s8, $0x2  }
0x88: {  	[tilespmem:s8+$0x1DB00] =	vst v9  }
0x89: {  	v8 =	vadd.s32 $0x6, v8;
	v9 =	vld.idx.msk [tilespmem:v10+s29+$0x0], $0xffff  }
0x8a: {  	vm0 =	vgt.s32 v8, $0x9  }
0x8b: {  	v10 =	vsel vm0, $0x1, v2  }
0x8c: {  	v11 =	vsel vm0, $0xFFFFFFF6, v2;
	v7 =	vadd.s32 v10, v7  }
0x8d: {  	v8 =	vadd.s32 v8, v11;
	v7 =	vadd.s32 $0x1, v7  }
0x8e: {  	v10 =	vshll.u32 v8, $0x9;
	v11 =	vshll.u32 v7, $0x3  }
0x8f: {  	v8 =	vshll.u32 v8, $0x7;
	v10 =	vand.u32 $0xFFFFF000, v10;
	v11 =	vand.u32 $0xFFFFFC00, v11  }
0x90: {  	v8 =	vand.u32 $0x380, v8;
	v10 =	vadd.s32 v10, v11  }
0x91: {  	v7 =	vand.u32 $0x7F, v7;
	v8 =	vor.u32 v8, v10;
	v9 =	vld.idx.msk [tilespmem:v9+s3+$0x0], $0xffff  }
0x92: {  	v7 =	vor.u32 v7, v8;
	_ =	sdelay $0x2  }
0x93: {  	s7 =	sshra.s32 s7, $0x2  }
0x94: {  	[tilespmem:s7+$0x1DB00] =	vst v9  }
0x95: {  	v7 =	vld.idx.msk [tilespmem:v7+s29+$0x0], $0xffff;
	_ =	sdelay $0x7  }
0x96: {  	v7 =	vld.idx.msk [tilespmem:v7+s3+$0x0], $0xffff;
	_ =	sdelay $0x3  }
0x97: {  	s6 =	sshra.s32 s6, $0x2  }
0x98: {  	s9 =	rddreg [dreg:$0x6];
	[tilespmem:s6+$0x1DB00] =	vst v7  }
0x99: {  	[hbm4b:s9+s22] =	stream.strided.scatter [tilespmem:s1], [sflag:$0x5], $0x1400, s23, s22, $0x38;
	[tilespmem:$0x1EF00] =	vst v63  }
0x9a: {  	s10 =	rddreg [dreg:$0x7]  }
0x9b: {  	[tilespmem:s29], [sflag:$0x3] =	stream.strided.gather [hbm4b:s10+s24], $0x2000, s25, s24, $0x38;
	[tilespmem:$0x1EF00] =	vst v63  }
0x9c: {  	_ =	swait.ge [sflag:s19], $0x2000  }
0x9d: {  	[sflag:s19] =	ssyncset.done $0x0  }
0x9e: {  	[sflag:s19] =	ssyncadd.s32 $0xFFFFE000  }
0x9f: {  	_ =	swait.ge [sflag:s0], $0x1400  }
0xa0: {  	[sflag:s0] =	ssyncset.done $0x0  }
0xa1: {  	[sflag:s0] =	ssyncadd.s32 $0xFFFFEC00  }
0xa2: {  	v9 =	vld.idx.msk [tilespmem:v3+s26+$0x0], $0xffff;
	_ =	sdelay $0x3  }
0xa3: {  	v8 =	vadd.s32 v4, v5;
	v7 =	vadd.s32 $0x1, v6  }
0xa4: {  	v10 =	vshll.u32 v8, $0x9;
	v11 =	vshll.u32 v7, $0x3  }
0xa5: {  	v12 =	vshll.u32 v8, $0x7;
	v10 =	vand.u32 $0xFFFFF000, v10;
	v11 =	vand.u32 $0xFFFFFC00, v11  }
0xa6: {  	v10 =	vadd.s32 v10, v11;
	v11 =	vand.u32 $0x380, v12  }
0xa7: {  	v63 =	vand.u32 $0x7F, v7;
	v10 =	vor.u32 v11, v10;
	v9 =	vld.idx.msk [tilespmem:v9+s3+$0x0], $0xffff  }
0xa8: {  	s8 =	simm.s32 $0x0;
	v10 =	vor.u32 v63, v10  }
0xa9: {  	s7 =	simm.s32 $0x40;
	s6 =	simm.s32 $0x80;
	s9 =	simm.s32 $0xC0  }
.LBB2_7:
0xaa: {  	p0 =	sne.s32 s9, $0x4FC0  }
0xab: {  	s10 =	sshra.s32 s8, $0x2;
	s8 =	smov.u32 s7;
	s7 =	smov.u32 s6  }
0xac: {  	s6 =	smov.u32 s9;
	[tilespmem:s10+$0x1C700] =	vst v9  }
0xad: {  	v9 =	vld.idx.msk [tilespmem:v10+s26+$0x0], $0xffff  }
0xae: {  	v8 =	vadd.s32 $0x6, v8  }
0xaf: {  	vm0 =	vgt.s32 v8, $0x9  }
0xb0: {  	v11 =	vsel vm0, $0xFFFFFFF6, v2;
	v10 =	vsel vm0, $0x1, v2  }
0xb1: {  	v8 =	vadd.s32 v8, v11;
	v7 =	vadd.s32 v10, v7  }
0xb2: {  	v10 =	vshll.u32 v8, $0x9;
	v7 =	vadd.s32 $0x1, v7  }
0xb3: {  	v10 =	vand.u32 $0xFFFFF000, v10;
	v11 =	vand.u32 $0x7F, v7;
	v12 =	vshll.u32 v7, $0x3  }
.Ltmp3:
0xb4: {  	v13 =	vshll.u32 v8, $0x7;
	v12 =	vand.u32 $0xFFFFFC00, v12;
	(pc) =	sbr.rel @p0 .LBB2_7-.Ltmp3, $4  }
0xb5: {  	v10 =	vadd.s32 v10, v12;
	v12 =	vand.u32 $0x380, v13;
	v9 =	vld.idx.msk [tilespmem:v9+s3+$0x0], $0xffff  }
0xb6: {  	v10 =	vor.u32 v12, v10  }
0xb7: {  	v10 =	vor.u32 v11, v10  }
0xb8: {  	s9 =	sadd.s32 $0x40, s9  }
0xb9: {  	_ =	sdelay $0x1  }
0xba: {  	s8 =	sshra.s32 s8, $0x2  }
0xbb: {  	[tilespmem:s8+$0x1C700] =	vst v9  }
0xbc: {  	v8 =	vadd.s32 $0x6, v8;
	v9 =	vld.idx.msk [tilespmem:v10+s26+$0x0], $0xffff  }
0xbd: {  	vm0 =	vgt.s32 v8, $0x9  }
0xbe: {  	v10 =	vsel vm0, $0x1, v2  }
0xbf: {  	v11 =	vsel vm0, $0xFFFFFFF6, v2;
	v7 =	vadd.s32 v10, v7  }
0xc0: {  	v8 =	vadd.s32 v8, v11;
	v7 =	vadd.s32 $0x1, v7  }
0xc1: {  	v10 =	vshll.u32 v8, $0x9;
	v11 =	vshll.u32 v7, $0x3  }
0xc2: {  	v8 =	vshll.u32 v8, $0x7;
	v10 =	vand.u32 $0xFFFFF000, v10;
	v11 =	vand.u32 $0xFFFFFC00, v11  }
0xc3: {  	v8 =	vand.u32 $0x380, v8;
	v10 =	vadd.s32 v10, v11  }
0xc4: {  	v7 =	vand.u32 $0x7F, v7;
	v8 =	vor.u32 v8, v10;
	v9 =	vld.idx.msk [tilespmem:v9+s3+$0x0], $0xffff  }
0xc5: {  	v7 =	vor.u32 v7, v8;
	_ =	sdelay $0x2  }
0xc6: {  	s7 =	sshra.s32 s7, $0x2  }
0xc7: {  	[tilespmem:s7+$0x1C700] =	vst v9  }
0xc8: {  	v7 =	vld.idx.msk [tilespmem:v7+s26+$0x0], $0xffff;
	_ =	sdelay $0x7  }
0xc9: {  	v7 =	vld.idx.msk [tilespmem:v7+s3+$0x0], $0xffff;
	_ =	sdelay $0x3  }
0xca: {  	s6 =	sshra.s32 s6, $0x2  }
0xcb: {  	s9 =	rddreg [dreg:$0x8];
	[tilespmem:s6+$0x1C700] =	vst v7  }
0xcc: {  	[hbm4b:s9+s22] =	stream.strided.scatter [tilespmem:s30], [sflag:$0x4], $0x1400, s23, s22, $0x38;
	[tilespmem:$0x1EF00] =	vst v63  }
0xcd: {  	s10 =	rddreg [dreg:$0x9]  }
0xce: {  	[tilespmem:s26], [sflag:$0x2] =	stream.strided.gather [hbm4b:s10+s24], $0x2000, s25, s24, $0x38;
	[tilespmem:$0x1EF00] =	vst v63  }
0xcf: {  	_ =	swait.ge [sflag:s31], $0x2000  }
0xd0: {  	[sflag:s31] =	ssyncset.done $0x0  }
0xd1: {  	[sflag:s31] =	ssyncadd.s32 $0xFFFFE000  }
0xd2: {  	_ =	swait.ge [sflag:s2], $0x1400  }
0xd3: {  	[sflag:s2] =	ssyncset.done $0x0  }
0xd4: {  	[sflag:s2] =	ssyncadd.s32 $0xFFFFEC00  }
0xd5: {  	v9 =	vld.idx.msk [tilespmem:v3+s29+$0x0], $0xffff;
	_ =	sdelay $0x3  }
0xd6: {  	v8 =	vadd.s32 v4, v5;
	v7 =	vadd.s32 $0x1, v6  }
0xd7: {  	v10 =	vshll.u32 v8, $0x9;
	v11 =	vshll.u32 v7, $0x3  }
0xd8: {  	v12 =	vshll.u32 v8, $0x7;
	v10 =	vand.u32 $0xFFFFF000, v10;
	v11 =	vand.u32 $0xFFFFFC00, v11  }
0xd9: {  	v10 =	vadd.s32 v10, v11;
	v11 =	vand.u32 $0x380, v12  }
0xda: {  	v63 =	vand.u32 $0x7F, v7;
	v10 =	vor.u32 v11, v10;
	v9 =	vld.idx.msk [tilespmem:v9+s3+$0x0], $0xffff  }
0xdb: {  	s8 =	simm.s32 $0x0;
	v10 =	vor.u32 v63, v10  }
0xdc: {  	s7 =	simm.s32 $0x40;
	s6 =	simm.s32 $0x80;
	s9 =	simm.s32 $0xC0  }
.LBB2_9:
0xdd: {  	p0 =	sne.s32 s9, $0x4FC0  }
0xde: {  	s10 =	sshra.s32 s8, $0x2;
	s8 =	smov.u32 s7;
	s7 =	smov.u32 s6  }
0xdf: {  	s6 =	smov.u32 s9;
	[tilespmem:s10+$0x1DB00] =	vst v9  }
0xe0: {  	v9 =	vld.idx.msk [tilespmem:v10+s29+$0x0], $0xffff  }
0xe1: {  	v8 =	vadd.s32 $0x6, v8  }
0xe2: {  	vm0 =	vgt.s32 v8, $0x9  }
0xe3: {  	v11 =	vsel vm0, $0xFFFFFFF6, v2;
	v10 =	vsel vm0, $0x1, v2  }
0xe4: {  	v8 =	vadd.s32 v8, v11;
	v7 =	vadd.s32 v10, v7  }
0xe5: {  	v10 =	vshll.u32 v8, $0x9;
	v7 =	vadd.s32 $0x1, v7  }
0xe6: {  	v10 =	vand.u32 $0xFFFFF000, v10;
	v11 =	vand.u32 $0x7F, v7;
	v12 =	vshll.u32 v7, $0x3  }
.Ltmp4:
0xe7: {  	v13 =	vshll.u32 v8, $0x7;
	v12 =	vand.u32 $0xFFFFFC00, v12;
	(pc) =	sbr.rel @p0 .LBB2_9-.Ltmp4, $4  }
0xe8: {  	v10 =	vadd.s32 v10, v12;
	v12 =	vand.u32 $0x380, v13;
	v9 =	vld.idx.msk [tilespmem:v9+s3+$0x0], $0xffff  }
0xe9: {  	v10 =	vor.u32 v12, v10  }
0xea: {  	v10 =	vor.u32 v11, v10  }
0xeb: {  	s9 =	sadd.s32 $0x40, s9  }
0xec: {  	_ =	sdelay $0x1  }
0xed: {  	s8 =	sshra.s32 s8, $0x2  }
0xee: {  	[tilespmem:s8+$0x1DB00] =	vst v9  }
0xef: {  	v8 =	vadd.s32 $0x6, v8;
	v9 =	vld.idx.msk [tilespmem:v10+s29+$0x0], $0xffff  }
0xf0: {  	vm0 =	vgt.s32 v8, $0x9  }
0xf1: {  	v10 =	vsel vm0, $0x1, v2  }
0xf2: {  	v11 =	vsel vm0, $0xFFFFFFF6, v2;
	v7 =	vadd.s32 v10, v7  }
0xf3: {  	v8 =	vadd.s32 v8, v11;
	v7 =	vadd.s32 $0x1, v7  }
0xf4: {  	v10 =	vshll.u32 v8, $0x9;
	v11 =	vshll.u32 v7, $0x3  }
0xf5: {  	v8 =	vshll.u32 v8, $0x7;
	v10 =	vand.u32 $0xFFFFF000, v10;
	v11 =	vand.u32 $0xFFFFFC00, v11  }
0xf6: {  	v8 =	vand.u32 $0x380, v8;
	v10 =	vadd.s32 v10, v11  }
0xf7: {  	v7 =	vand.u32 $0x7F, v7;
	v8 =	vor.u32 v8, v10;
	v9 =	vld.idx.msk [tilespmem:v9+s3+$0x0], $0xffff  }
0xf8: {  	v7 =	vor.u32 v7, v8;
	_ =	sdelay $0x2  }
0xf9: {  	s7 =	sshra.s32 s7, $0x2  }
0xfa: {  	[tilespmem:s7+$0x1DB00] =	vst v9  }
0xfb: {  	v7 =	vld.idx.msk [tilespmem:v7+s29+$0x0], $0xffff;
	_ =	sdelay $0x7  }
0xfc: {  	v7 =	vld.idx.msk [tilespmem:v7+s3+$0x0], $0xffff;
	_ =	sdelay $0x3  }
0xfd: {  	s6 =	sshra.s32 s6, $0x2  }
0xfe: {  	[tilespmem:s6+$0x1DB00] =	vst v7  }
0xff: {  	[hbm4b:s11+s22] =	stream.strided.scatter [tilespmem:s1], [sflag:$0x5], $0x1400, s23, s22, $0x38;
	[tilespmem:$0x1EF00] =	vst v63  }
0x100: {  	_ = 	snop  }
0x101: {  	[tilespmem:s29], [sflag:$0x3] =	stream.strided.gather [hbm4b:s12+s24], $0x2000, s25, s24, $0x38;
	[tilespmem:$0x1EF00] =	vst v63  }
0x102: {  	_ =	swait.ge [sflag:s19], $0x2000  }
0x103: {  	[sflag:s19] =	ssyncset.done $0x0  }
0x104: {  	[sflag:s19] =	ssyncadd.s32 $0xFFFFE000  }
0x105: {  	_ =	swait.ge [sflag:s0], $0x1400  }
0x106: {  	[sflag:s0] =	ssyncset.done $0x0  }
0x107: {  	[sflag:s0] =	ssyncadd.s32 $0xFFFFEC00  }
0x108: {  	v9 =	vld.idx.msk [tilespmem:v3+s26+$0x0], $0xffff;
	_ =	sdelay $0x3  }
0x109: {  	v8 =	vadd.s32 v4, v5;
	v7 =	vadd.s32 $0x1, v6  }
0x10a: {  	v10 =	vshll.u32 v8, $0x9;
	v11 =	vshll.u32 v7, $0x3  }
0x10b: {  	v12 =	vshll.u32 v8, $0x7;
	v10 =	vand.u32 $0xFFFFF000, v10;
	v11 =	vand.u32 $0xFFFFFC00, v11  }
0x10c: {  	v10 =	vadd.s32 v10, v11;
	v11 =	vand.u32 $0x380, v12  }
0x10d: {  	v63 =	vand.u32 $0x7F, v7;
	v10 =	vor.u32 v11, v10;
	v9 =	vld.idx.msk [tilespmem:v9+s3+$0x0], $0xffff  }
0x10e: {  	s9 =	simm.s32 $0xC0;
	v10 =	vor.u32 v63, v10  }
0x10f: {  	s8 =	simm.s32 $0x0;
	s7 =	simm.s32 $0x40;
	s6 =	simm.s32 $0x80  }
.LBB2_11:
0x110: {  	p0 =	sne.s32 s9, $0x4FC0  }
0x111: {  	s10 =	sshra.s32 s8, $0x2;
	s8 =	smov.u32 s7;
	s7 =	smov.u32 s6  }
0x112: {  	s6 =	smov.u32 s9;
	[tilespmem:s10+$0x1C700] =	vst v9  }
0x113: {  	v9 =	vld.idx.msk [tilespmem:v10+s26+$0x0], $0xffff  }
0x114: {  	v8 =	vadd.s32 $0x6, v8  }
0x115: {  	vm0 =	vgt.s32 v8, $0x9  }
0x116: {  	v11 =	vsel vm0, $0xFFFFFFF6, v2;
	v10 =	vsel vm0, $0x1, v2  }
0x117: {  	v8 =	vadd.s32 v8, v11;
	v7 =	vadd.s32 v10, v7  }
0x118: {  	v10 =	vshll.u32 v8, $0x9;
	v7 =	vadd.s32 $0x1, v7  }
0x119: {  	v10 =	vand.u32 $0xFFFFF000, v10;
	v11 =	vand.u32 $0x7F, v7;
	v12 =	vshll.u32 v7, $0x3  }
.Ltmp5:
0x11a: {  	v13 =	vshll.u32 v8, $0x7;
	v12 =	vand.u32 $0xFFFFFC00, v12;
	(pc) =	sbr.rel @p0 .LBB2_11-.Ltmp5, $4  }
0x11b: {  	v10 =	vadd.s32 v10, v12;
	v12 =	vand.u32 $0x380, v13;
	v9 =	vld.idx.msk [tilespmem:v9+s3+$0x0], $0xffff  }
0x11c: {  	v10 =	vor.u32 v12, v10  }
0x11d: {  	v10 =	vor.u32 v11, v10  }
0x11e: {  	s9 =	sadd.s32 $0x40, s9  }
0x11f: {  	_ =	sdelay $0x1  }
0x120: {  	s8 =	sshra.s32 s8, $0x2  }
0x121: {  	[tilespmem:s8+$0x1C700] =	vst v9  }
0x122: {  	v8 =	vadd.s32 $0x6, v8;
	v9 =	vld.idx.msk [tilespmem:v10+s26+$0x0], $0xffff  }
0x123: {  	vm0 =	vgt.s32 v8, $0x9  }
0x124: {  	v10 =	vsel vm0, $0x1, v2  }
0x125: {  	v11 =	vsel vm0, $0xFFFFFFF6, v2;
	v7 =	vadd.s32 v10, v7  }
0x126: {  	v8 =	vadd.s32 v8, v11;
	v7 =	vadd.s32 $0x1, v7  }
0x127: {  	v10 =	vshll.u32 v8, $0x9;
	v11 =	vshll.u32 v7, $0x3  }
0x128: {  	v8 =	vshll.u32 v8, $0x7;
	v10 =	vand.u32 $0xFFFFF000, v10;
	v11 =	vand.u32 $0xFFFFFC00, v11  }
0x129: {  	v8 =	vand.u32 $0x380, v8;
	v10 =	vadd.s32 v10, v11  }
0x12a: {  	v7 =	vand.u32 $0x7F, v7;
	v8 =	vor.u32 v8, v10;
	v9 =	vld.idx.msk [tilespmem:v9+s3+$0x0], $0xffff  }
0x12b: {  	v7 =	vor.u32 v7, v8;
	_ =	sdelay $0x2  }
0x12c: {  	s7 =	sshra.s32 s7, $0x2  }
0x12d: {  	[tilespmem:s7+$0x1C700] =	vst v9  }
0x12e: {  	v7 =	vld.idx.msk [tilespmem:v7+s26+$0x0], $0xffff;
	_ =	sdelay $0x7  }
0x12f: {  	v7 =	vld.idx.msk [tilespmem:v7+s3+$0x0], $0xffff;
	_ =	sdelay $0x3  }
0x130: {  	s6 =	sshra.s32 s6, $0x2  }
0x131: {  	[tilespmem:s6+$0x1C700] =	vst v7  }
0x132: {  	[hbm4b:s13+s22] =	stream.strided.scatter [tilespmem:s30], [sflag:$0x4], $0x1400, s23, s22, $0x38;
	[tilespmem:$0x1EF00] =	vst v63  }
0x133: {  	_ = 	snop  }
0x134: {  	[tilespmem:s26], [sflag:$0x2] =	stream.strided.gather [hbm4b:s14+s24], $0x2000, s25, s24, $0x38;
	[tilespmem:$0x1EF00] =	vst v63  }
0x135: {  	_ =	swait.ge [sflag:s31], $0x2000  }
0x136: {  	[sflag:s31] =	ssyncset.done $0x0  }
0x137: {  	[sflag:s31] =	ssyncadd.s32 $0xFFFFE000  }
0x138: {  	_ =	swait.ge [sflag:s2], $0x1400  }
0x139: {  	[sflag:s2] =	ssyncset.done $0x0  }
0x13a: {  	[sflag:s2] =	ssyncadd.s32 $0xFFFFEC00  }
0x13b: {  	v9 =	vld.idx.msk [tilespmem:v3+s29+$0x0], $0xffff;
	_ =	sdelay $0x3  }
0x13c: {  	v8 =	vadd.s32 v4, v5;
	v7 =	vadd.s32 $0x1, v6  }
0x13d: {  	v10 =	vshll.u32 v8, $0x9;
	v11 =	vshll.u32 v7, $0x3  }
0x13e: {  	v12 =	vshll.u32 v8, $0x7;
	v10 =	vand.u32 $0xFFFFF000, v10;
	v11 =	vand.u32 $0xFFFFFC00, v11  }
0x13f: {  	v10 =	vadd.s32 v10, v11;
	v11 =	vand.u32 $0x380, v12  }
0x140: {  	v63 =	vand.u32 $0x7F, v7;
	v10 =	vor.u32 v11, v10;
	v9 =	vld.idx.msk [tilespmem:v9+s3+$0x0], $0xffff  }
0x141: {  	s9 =	simm.s32 $0xC0;
	v10 =	vor.u32 v63, v10  }
0x142: {  	s8 =	simm.s32 $0x0;
	s7 =	simm.s32 $0x40;
	s6 =	simm.s32 $0x80  }
.LBB2_13:
0x143: {  	p0 =	sne.s32 s9, $0x4FC0  }
0x144: {  	s10 =	sshra.s32 s8, $0x2;
	s8 =	smov.u32 s7;
	s7 =	smov.u32 s6  }
0x145: {  	s6 =	smov.u32 s9;
	[tilespmem:s10+$0x1DB00] =	vst v9  }
0x146: {  	v9 =	vld.idx.msk [tilespmem:v10+s29+$0x0], $0xffff  }
0x147: {  	v8 =	vadd.s32 $0x6, v8  }
0x148: {  	vm0 =	vgt.s32 v8, $0x9  }
0x149: {  	v11 =	vsel vm0, $0xFFFFFFF6, v2;
	v10 =	vsel vm0, $0x1, v2  }
0x14a: {  	v8 =	vadd.s32 v8, v11;
	v7 =	vadd.s32 v10, v7  }
0x14b: {  	v10 =	vshll.u32 v8, $0x9;
	v7 =	vadd.s32 $0x1, v7  }
0x14c: {  	v10 =	vand.u32 $0xFFFFF000, v10;
	v11 =	vand.u32 $0x7F, v7;
	v12 =	vshll.u32 v7, $0x3  }
.Ltmp6:
0x14d: {  	v13 =	vshll.u32 v8, $0x7;
	v12 =	vand.u32 $0xFFFFFC00, v12;
	(pc) =	sbr.rel @p0 .LBB2_13-.Ltmp6, $4  }
0x14e: {  	v10 =	vadd.s32 v10, v12;
	v12 =	vand.u32 $0x380, v13;
	v9 =	vld.idx.msk [tilespmem:v9+s3+$0x0], $0xffff  }
0x14f: {  	v10 =	vor.u32 v12, v10  }
0x150: {  	v10 =	vor.u32 v11, v10  }
0x151: {  	s9 =	sadd.s32 $0x40, s9  }
0x152: {  	_ =	sdelay $0x1  }
0x153: {  	s8 =	sshra.s32 s8, $0x2  }
0x154: {  	[tilespmem:s8+$0x1DB00] =	vst v9  }
0x155: {  	v8 =	vadd.s32 $0x6, v8;
	v9 =	vld.idx.msk [tilespmem:v10+s29+$0x0], $0xffff  }
0x156: {  	vm0 =	vgt.s32 v8, $0x9  }
0x157: {  	v10 =	vsel vm0, $0x1, v2  }
0x158: {  	v11 =	vsel vm0, $0xFFFFFFF6, v2;
	v7 =	vadd.s32 v10, v7  }
0x159: {  	v8 =	vadd.s32 v8, v11;
	v7 =	vadd.s32 $0x1, v7  }
0x15a: {  	v10 =	vshll.u32 v8, $0x9;
	v11 =	vshll.u32 v7, $0x3  }
0x15b: {  	v8 =	vshll.u32 v8, $0x7;
	v10 =	vand.u32 $0xFFFFF000, v10;
	v11 =	vand.u32 $0xFFFFFC00, v11  }
0x15c: {  	v8 =	vand.u32 $0x380, v8;
	v10 =	vadd.s32 v10, v11  }
0x15d: {  	v7 =	vand.u32 $0x7F, v7;
	v8 =	vor.u32 v8, v10;
	v9 =	vld.idx.msk [tilespmem:v9+s3+$0x0], $0xffff  }
0x15e: {  	v7 =	vor.u32 v7, v8;
	_ =	sdelay $0x2  }
0x15f: {  	s7 =	sshra.s32 s7, $0x2  }
0x160: {  	[tilespmem:s7+$0x1DB00] =	vst v9  }
0x161: {  	v7 =	vld.idx.msk [tilespmem:v7+s29+$0x0], $0xffff;
	_ =	sdelay $0x7  }
0x162: {  	v7 =	vld.idx.msk [tilespmem:v7+s3+$0x0], $0xffff;
	_ =	sdelay $0x3  }
0x163: {  	s6 =	sshra.s32 s6, $0x2  }
0x164: {  	[tilespmem:s6+$0x1DB00] =	vst v7  }
0x165: {  	[hbm4b:s15+s22] =	stream.strided.scatter [tilespmem:s1], [sflag:$0x5], $0x1400, s23, s22, $0x38;
	[tilespmem:$0x1EF00] =	vst v63  }
0x166: {  	_ = 	snop  }
0x167: {  	[tilespmem:s29], [sflag:$0x3] =	stream.strided.gather [hbm4b:s16+s24], $0x2000, s25, s24, $0x38;
	[tilespmem:$0x1EF00] =	vst v63  }
0x168: {  	_ =	swait.ge [sflag:s19], $0x2000  }
0x169: {  	[sflag:s19] =	ssyncset.done $0x0  }
0x16a: {  	[sflag:s19] =	ssyncadd.s32 $0xFFFFE000  }
0x16b: {  	_ =	swait.ge [sflag:s0], $0x1400  }
0x16c: {  	[sflag:s0] =	ssyncset.done $0x0  }
0x16d: {  	[sflag:s0] =	ssyncadd.s32 $0xFFFFEC00  }
0x16e: {  	v9 =	vld.idx.msk [tilespmem:v3+s26+$0x0], $0xffff;
	_ =	sdelay $0x3  }
0x16f: {  	v8 =	vadd.s32 v4, v5;
	v7 =	vadd.s32 $0x1, v6  }
0x170: {  	v10 =	vshll.u32 v8, $0x9;
	v11 =	vshll.u32 v7, $0x3  }
0x171: {  	v12 =	vshll.u32 v8, $0x7;
	v10 =	vand.u32 $0xFFFFF000, v10;
	v11 =	vand.u32 $0xFFFFFC00, v11  }
0x172: {  	v10 =	vadd.s32 v10, v11;
	v11 =	vand.u32 $0x380, v12  }
0x173: {  	v63 =	vand.u32 $0x7F, v7;
	v10 =	vor.u32 v11, v10;
	v9 =	vld.idx.msk [tilespmem:v9+s3+$0x0], $0xffff  }
0x174: {  	s9 =	simm.s32 $0xC0;
	v10 =	vor.u32 v63, v10  }
0x175: {  	s8 =	simm.s32 $0x0;
	s7 =	simm.s32 $0x40;
	s6 =	simm.s32 $0x80  }
.LBB2_15:
0x176: {  	p0 =	sne.s32 s9, $0x4FC0  }
0x177: {  	s10 =	sshra.s32 s8, $0x2;
	s8 =	smov.u32 s7;
	s7 =	smov.u32 s6  }
0x178: {  	s6 =	smov.u32 s9;
	[tilespmem:s10+$0x1C700] =	vst v9  }
0x179: {  	v9 =	vld.idx.msk [tilespmem:v10+s26+$0x0], $0xffff  }
0x17a: {  	v8 =	vadd.s32 $0x6, v8  }
0x17b: {  	vm0 =	vgt.s32 v8, $0x9  }
0x17c: {  	v11 =	vsel vm0, $0xFFFFFFF6, v2;
	v10 =	vsel vm0, $0x1, v2  }
0x17d: {  	v8 =	vadd.s32 v8, v11;
	v7 =	vadd.s32 v10, v7  }
0x17e: {  	v10 =	vshll.u32 v8, $0x9;
	v7 =	vadd.s32 $0x1, v7  }
0x17f: {  	v10 =	vand.u32 $0xFFFFF000, v10;
	v11 =	vand.u32 $0x7F, v7;
	v12 =	vshll.u32 v7, $0x3  }
.Ltmp7:
0x180: {  	v13 =	vshll.u32 v8, $0x7;
	v12 =	vand.u32 $0xFFFFFC00, v12;
	(pc) =	sbr.rel @p0 .LBB2_15-.Ltmp7, $4  }
0x181: {  	v10 =	vadd.s32 v10, v12;
	v12 =	vand.u32 $0x380, v13;
	v9 =	vld.idx.msk [tilespmem:v9+s3+$0x0], $0xffff  }
0x182: {  	v10 =	vor.u32 v12, v10  }
0x183: {  	v10 =	vor.u32 v11, v10  }
0x184: {  	s9 =	sadd.s32 $0x40, s9  }
0x185: {  	_ =	sdelay $0x1  }
0x186: {  	s8 =	sshra.s32 s8, $0x2  }
0x187: {  	[tilespmem:s8+$0x1C700] =	vst v9  }
0x188: {  	v8 =	vadd.s32 $0x6, v8;
	v9 =	vld.idx.msk [tilespmem:v10+s26+$0x0], $0xffff  }
0x189: {  	vm0 =	vgt.s32 v8, $0x9  }
0x18a: {  	v61 =	vsel vm0, $0x1, v2  }
0x18b: {  	v11 =	vsel vm0, $0xFFFFFFF6, v2;
	v7 =	vadd.s32 v61, v7  }
0x18c: {  	v8 =	vadd.s32 v8, v11;
	v7 =	vadd.s32 $0x1, v7  }
0x18d: {  	v62 =	vshll.u32 v8, $0x9;
	v63 =	vshll.u32 v7, $0x3  }
0x18e: {  	v8 =	vshll.u32 v8, $0x7;
	v10 =	vand.u32 $0xFFFFF000, v62;
	v11 =	vand.u32 $0xFFFFFC00, v63  }
0x18f: {  	v8 =	vand.u32 $0x380, v8;
	v10 =	vadd.s32 v10, v11  }
0x190: {  	v7 =	vand.u32 $0x7F, v7;
	v8 =	vor.u32 v8, v10;
	v9 =	vld.idx.msk [tilespmem:v9+s3+$0x0], $0xffff  }
0x191: {  	v7 =	vor.u32 v7, v8;
	_ =	sdelay $0x2  }
0x192: {  	s7 =	sshra.s32 s7, $0x2  }
0x193: {  	[tilespmem:s7+$0x1C700] =	vst v9  }
0x194: {  	v7 =	vld.idx.msk [tilespmem:v7+s26+$0x0], $0xffff;
	_ =	sdelay $0x7  }
0x195: {  	v7 =	vld.idx.msk [tilespmem:v7+s3+$0x0], $0xffff;
	_ =	sdelay $0x3  }
0x196: {  	s6 =	sshra.s32 s6, $0x2  }
0x197: {  	[tilespmem:s6+$0x1C700] =	vst v7  }
0x198: {  	[hbm4b:s17+s22] =	stream.strided.scatter [tilespmem:s30], [sflag:$0x4], $0x1400, s23, s22, $0x38;
	[tilespmem:$0x1EF00] =	vst v63  }
0x199: {  	_ =	swait.ge [sflag:s31], $0x2000  }
0x19a: {  	[sflag:s31] =	ssyncset.done $0x0  }
0x19b: {  	[sflag:s31] =	ssyncadd.s32 $0xFFFFE000  }
0x19c: {  	_ =	swait.ge [sflag:s2], $0x1400  }
0x19d: {  	[sflag:s2] =	ssyncset.done $0x0  }
0x19e: {  	[sflag:s2] =	ssyncadd.s32 $0xFFFFEC00  }
0x19f: {  	v7 =	vld.idx.msk [tilespmem:v3+s29+$0x0], $0xffff;
	_ =	sdelay $0x3  }
0x1a0: {  	v4 =	vadd.s32 v4, v5;
	v3 =	vadd.s32 $0x1, v6  }
0x1a1: {  	v5 =	vshll.u32 v4, $0x9;
	v6 =	vshll.u32 v3, $0x3  }
0x1a2: {  	v5 =	vand.u32 $0xFFFFF000, v5;
	v8 =	vshll.u32 v4, $0x7;
	v6 =	vand.u32 $0xFFFFFC00, v6  }
0x1a3: {  	v5 =	vadd.s32 v5, v6;
	v6 =	vand.u32 $0x380, v8  }
0x1a4: {  	v8 =	vand.u32 $0x7F, v3;
	v6 =	vor.u32 v6, v5;
	v5 =	vld.idx.msk [tilespmem:v7+s3+$0x0], $0xffff  }
0x1a5: {  	s9 =	simm.s32 $0xC0;
	v6 =	vor.u32 v8, v6  }
0x1a6: {  	s8 =	simm.s32 $0x0;
	s7 =	simm.s32 $0x40;
	s6 =	simm.s32 $0x80  }
.LBB2_17:
0x1a7: {  	p0 =	sne.s32 s9, $0x4FC0  }
0x1a8: {  	s10 =	sshra.s32 s8, $0x2;
	s8 =	smov.u32 s7;
	s7 =	smov.u32 s6  }
0x1a9: {  	s6 =	smov.u32 s9;
	[tilespmem:s10+$0x1DB00] =	vst v5  }
0x1aa: {  	v5 =	vld.idx.msk [tilespmem:v6+s29+$0x0], $0xffff  }
0x1ab: {  	v4 =	vadd.s32 $0x6, v4  }
0x1ac: {  	vm0 =	vgt.s32 v4, $0x9  }
0x1ad: {  	v7 =	vsel vm0, $0xFFFFFFF6, v2;
	v6 =	vsel vm0, $0x1, v2  }
0x1ae: {  	v4 =	vadd.s32 v4, v7;
	v3 =	vadd.s32 v6, v3  }
0x1af: {  	v6 =	vshll.u32 v4, $0x9;
	v3 =	vadd.s32 $0x1, v3  }
0x1b0: {  	v6 =	vand.u32 $0xFFFFF000, v6;
	v7 =	vand.u32 $0x7F, v3;
	v8 =	vshll.u32 v3, $0x3  }
.Ltmp8:
0x1b1: {  	v9 =	vshll.u32 v4, $0x7;
	v8 =	vand.u32 $0xFFFFFC00, v8;
	(pc) =	sbr.rel @p0 .LBB2_17-.Ltmp8, $4  }
0x1b2: {  	v6 =	vadd.s32 v6, v8;
	v8 =	vand.u32 $0x380, v9;
	v5 =	vld.idx.msk [tilespmem:v5+s3+$0x0], $0xffff  }
0x1b3: {  	v6 =	vor.u32 v8, v6  }
0x1b4: {  	v6 =	vor.u32 v7, v6  }
0x1b5: {  	s9 =	sadd.s32 $0x40, s9  }
0x1b6: {  	_ =	sdelay $0x1  }
0x1b7: {  	s8 =	sshra.s32 s8, $0x2  }
0x1b8: {  	[tilespmem:s8+$0x1DB00] =	vst v5  }
0x1b9: {  	v4 =	vadd.s32 $0x6, v4;
	v5 =	vld.idx.msk [tilespmem:v6+s29+$0x0], $0xffff  }
0x1ba: {  	vm0 =	vgt.s32 v4, $0x9  }
0x1bb: {  	v61 =	vsel vm0, $0x1, v2  }
0x1bc: {  	v7 =	vsel vm0, $0xFFFFFFF6, v2;
	v3 =	vadd.s32 v61, v3  }
0x1bd: {  	v4 =	vadd.s32 v4, v7;
	v3 =	vadd.s32 $0x1, v3  }
0x1be: {  	v62 =	vshll.u32 v4, $0x9;
	v63 =	vshll.u32 v3, $0x3  }
0x1bf: {  	v4 =	vshll.u32 v4, $0x7;
	v6 =	vand.u32 $0xFFFFF000, v62;
	v7 =	vand.u32 $0xFFFFFC00, v63  }
0x1c0: {  	v4 =	vand.u32 $0x380, v4;
	v6 =	vadd.s32 v6, v7  }
0x1c1: {  	v3 =	vand.u32 $0x7F, v3;
	v4 =	vor.u32 v4, v6;
	v5 =	vld.idx.msk [tilespmem:v5+s3+$0x0], $0xffff  }
0x1c2: {  	v3 =	vor.u32 v3, v4;
	_ =	sdelay $0x2  }
0x1c3: {  	s7 =	sshra.s32 s7, $0x2  }
0x1c4: {  	[tilespmem:s7+$0x1DB00] =	vst v5  }
0x1c5: {  	v3 =	vld.idx.msk [tilespmem:v3+s29+$0x0], $0xffff;
	_ =	sdelay $0x7  }
0x1c6: {  	v3 =	vld.idx.msk [tilespmem:v3+s3+$0x0], $0xffff;
	_ =	sdelay $0x3  }
0x1c7: {  	s6 =	sshra.s32 s6, $0x2  }
0x1c8: {  	s4 =	sadd.s32 $0x1, s4;
	[tilespmem:s6+$0x1DB00] =	vst v3  }
0x1c9: {  	[hbm4b:s18+s22] =	stream.strided.scatter [tilespmem:s1], [sflag:$0x5], $0x1400, s23, s22, $0x38;
	[tilespmem:$0x1EF00] =	vst v63  }
0x1ca: {  	p0 =	sne.s32 s4, s21;
	_ =	swait.ge [sflag:s0], $0x1400  }
.Ltmp9:
0x1cb: {  	[sflag:s0] =	ssyncset.done $0x0;
	(pc) =	sbr.rel @p0 .LBB2_2-.Ltmp9, $4  }
0x1cc: {  	[sflag:s0] =	ssyncadd.s32 $0xFFFFEC00  }
0x1cd: {  	_ =	swait.ge [sflag:s2], $0x1400  }
0x1ce: {  	[sflag:s2] =	ssyncset.done $0x0  }
0x1cf: {  	[sflag:s2] =	ssyncadd.s32 $0xFFFFEC00  }
.LBB2_19:
0x1d0: {  	_ =	sfence.sel $0x180000  }
0x1d1: {  	[bflag:$0x0] =	sbarrier.arrive $0xFFFF  }
0x1d2: {  	_ =	strace $0x9000004A  }
0x1d3: {  	s0 =	stileid.u32;
	[bflag:$0x2] =	sbarrier.arrive $0xFFFF  }
0x1d4: {  	p0 =	sne.s32 s0, $0x0;
	s0 =	rddreg [dreg:$0x3]  }
0x1d5: {  	s0 =	sadd.s32 @!p0 $0x100000, s0  }
0x1d6: {  	[sflag:s0] =	ssyncadd.tile.s32 @!p0 $0x1;
	_ =	shalt  }
.Lfunc_end2:
_tile_overlayer_lowered:
.L_overlay_start_2:
0x1d7: {  	(tag) =	ssettag $0x2  }
0x1d8: {  	s0 =	rddreg [dreg:$0x0];
	s2 =	stileid.u32  }
0x1d9: {  	s1 =	rddreg [dreg:$0x1];
	p0 =	sne.s32 s2, $0x0  }
0x1da: {  	s3 =	rddreg [dreg:$0x2];
	[bflag:$0x3] =	sbarrier.arrive $0xFFFF;
	s2 =	simm.s32 @!p0 $0x1C06  }
0x1db: {  	[timem:s3], [sflag:s2] =	dma.local @!p0 [hbm:s0], s1  }
0x1dc: {  	s0 =	simm.s32 @!p0 $0x6  }
0x1dd: {  	_ =	swait.ge @!p0 [sflag:s0], s1  }
0x1de: {  	s1 =	ssub.s32 @!p0 $0x0, s1;
	[sflag:s0] =	ssyncset.done @!p0 $0x0  }
0x1df: {  	[sflag:s0] =	ssyncadd.s32 @!p0 s1  }
0x1e0: {  	[bflag:$0x3] =	sbarrier.arrive $0xFFFF  }
0x1e1: {  	_ =	shalt  }

</sc_bundles>
